<compile_context>
chip_gen: v7x
topology: tpu7x:2x2x1
jax: 0.10.2.dev20260603
libtpu: 0.0.44.dev20260713+nightly
codegen_flags: <defaults>
</compile_context>

<pallas_src>
import functools

import jax
import jax.numpy as jnp
from jax import lax
from jax.experimental import pallas as pl
from jax.experimental.pallas import tpu as pltpu
from jax.experimental.pallas import tpu_sc as plsc

N_NODES = 100000
DIM = 128
N_EDGES = 200000
N_CORES = 2
N_SUB = 16
NW = N_CORES * N_SUB
CHUNK = 128
CPW = 49
E_PAD = NW * CPW * CHUNK
EPW = 2 * E_PAD // NW
MCPW = EPW // CHUNK
ROW_BLOCK = 2000

_vmesh = plsc.VectorSubcoreMesh(core_axis_name="c", subcore_axis_name="s")
_sc_params = pltpu.CompilerParams(needs_layout_passes=False)


def _z():
    return jnp.int32(0)


@functools.partial(
    pl.kernel,
    out_type=jax.ShapeDtypeStruct((NW * N_NODES,), jnp.float32),
    mesh=_vmesh,
    scratch_types=[
        pltpu.VMEM((N_NODES,), jnp.float32),
        pltpu.VMEM((EPW,), jnp.int32),
    ],
    compiler_params=_sc_params,
)
def _mask_kernel(idx_hbm, zeros_hbm, mask_hbm, mask_v, idx_v):
    i32 = jnp.int32
    c = lax.axis_index("c")
    s = lax.axis_index("s")
    w = s * i32(N_CORES) + c
    pltpu.sync_copy(zeros_hbm, mask_v)
    pltpu.sync_copy(idx_hbm.at[pl.ds(w * i32(EPW), EPW)], idx_v)
    ones16 = jnp.full((16,), 1.0, jnp.float32)

    @pl.loop(0, EPW // 16, step=jnp.int32(1))
    def _(q):
        idx16 = idx_v[pl.ds(q * i32(16), 16)]
        plsc.store_scatter(mask_v, [idx16], ones16)

    pltpu.sync_copy(mask_v, mask_hbm.at[pl.ds(w * i32(N_NODES), N_NODES)])


CPW2 = CPW // 2


@functools.partial(
    pl.kernel,
    out_type=jax.ShapeDtypeStruct((E_PAD,), jnp.float32),
    mesh=_vmesh,
    scratch_types=[
        pltpu.VMEM((CPW * CHUNK,), jnp.int32),
        pltpu.VMEM((CPW * CHUNK,), jnp.int32),
        pltpu.VMEM((CHUNK, DIM), jnp.float32),
        pltpu.VMEM((CHUNK, DIM), jnp.float32),
        pltpu.VMEM((CHUNK, DIM), jnp.float32),
        pltpu.VMEM((CHUNK, DIM), jnp.float32),
        pltpu.VMEM((CHUNK,), jnp.float32),
        pltpu.VMEM((CHUNK,), jnp.float32),
        pltpu.SemaphoreType.DMA,
        pltpu.SemaphoreType.DMA,
    ],
    compiler_params=_sc_params,
)
def _score_kernel(g_hbm, h_hbm, src_hbm, dst_hbm, out_hbm,
                  sidx_all, didx_all, gs0, hd0, gs1, hd1, sc0, sc1,
                  sem0, sem1):
    i32 = jnp.int32
    c = lax.axis_index("c")
    s = lax.axis_index("s")
    w = s * i32(N_CORES) + c
    lane0 = lax.iota(jnp.int32, 16) == 0
    base_all = w * i32(CPW * CHUNK)
    pltpu.sync_copy(src_hbm.at[pl.ds(base_all, CPW * CHUNK)], sidx_all)
    pltpu.sync_copy(dst_hbm.at[pl.ds(base_all, CPW * CHUNK)], didx_all)

    def fetch(t, gsb, hdb, sem):
        off = t * i32(CHUNK)
        pltpu.async_copy(g_hbm.at[sidx_all.at[pl.ds(off, CHUNK)]], gsb, sem)
        pltpu.async_copy(h_hbm.at[didx_all.at[pl.ds(off, CHUNK)]], hdb, sem)

    def drain(gsb, hdb, sem):
        pltpu.make_async_copy(g_hbm.at[sidx_all.at[pl.ds(0, CHUNK)]],
                              gsb, sem).wait()
        pltpu.make_async_copy(h_hbm.at[didx_all.at[pl.ds(0, CHUNK)]],
                              hdb, sem).wait()

    def compute(t, gsb, hdb, scb):
        @pl.loop(0, CHUNK, step=jnp.int32(1))
        def _(e):
            acc = gsb[e, pl.ds(0, 16)] * hdb[e, pl.ds(0, 16)]
            for k in range(1, DIM // 16):
                acc = acc + gsb[e, pl.ds(16 * k, 16)] * hdb[e, pl.ds(16 * k, 16)]
            sv = jnp.full((16,), jnp.sum(acc), jnp.float32)
            plsc.store_scatter(scb, [jnp.full((16,), e, jnp.int32)], sv,
                               mask=lane0)

        pltpu.sync_copy(scb,
                        out_hbm.at[pl.ds(base_all + t * i32(CHUNK), CHUNK)])

    fetch(i32(0), gs0, hd0, sem0)

    @pl.loop(0, CPW2, step=jnp.int32(1))
    def _(T):
        t0 = T * i32(2)
        t1 = t0 + i32(1)
        fetch(t1, gs1, hd1, sem1)
        drain(gs0, hd0, sem0)
        compute(t0, gs0, hd0, sc0)
        fetch(t0 + i32(2), gs0, hd0, sem0)
        drain(gs1, hd1, sem1)
        compute(t1, gs1, hd1, sc1)

    drain(gs0, hd0, sem0)
    compute(i32(CPW - 1), gs0, hd0, sc0)


def _mm_body(x_ref, we_ref, wd_ref, h_out, g_out):
    h = jnp.maximum(
        jnp.dot(x_ref[...], we_ref[...], preferred_element_type=jnp.float32),
        0.0)
    h_out[...] = h
    g_out[...] = jnp.dot(h, wd_ref[...], preferred_element_type=jnp.float32)


_mm_call = pl.pallas_call(
    _mm_body,
    grid=(N_NODES // ROW_BLOCK,),
    in_specs=[
        pl.BlockSpec((ROW_BLOCK, DIM), lambda i: (i, _z())),
        pl.BlockSpec((DIM, DIM), lambda i: (_z(), _z())),
        pl.BlockSpec((DIM, DIM), lambda i: (_z(), _z())),
    ],
    out_specs=[
        pl.BlockSpec((ROW_BLOCK, DIM), lambda i: (i, _z())),
        pl.BlockSpec((ROW_BLOCK, DIM), lambda i: (i, _z())),
    ],
    out_shape=[
        jax.ShapeDtypeStruct((N_NODES, DIM), jnp.float32),
        jax.ShapeDtypeStruct((N_NODES, DIM), jnp.float32),
    ],
    compiler_params=pltpu.CompilerParams(
        dimension_semantics=("parallel",)),
)


MB = 2048
M_GRID = -(-N_NODES // MB)


def _merge_body(m_ref, out_ref):
    ones = jnp.full((NW, 16), 1.0, jnp.float32)
    out_ref[...] = jnp.dot(m_ref[...].T, ones,
                           preferred_element_type=jnp.float32)


_merge_call = pl.pallas_call(
    _merge_body,
    grid=(M_GRID,),
    in_specs=[pl.BlockSpec((NW, MB), lambda i: (_z(), i))],
    out_specs=pl.BlockSpec((MB, 16), lambda i: (i, _z())),
    out_shape=jax.ShapeDtypeStruct((N_NODES, 16), jnp.float32),
    compiler_params=pltpu.CompilerParams(
        dimension_semantics=("parallel",)),
)


def _sel_body(h_ref, m_ref, last_ref, ns_out):
    touched = m_ref[...][:, :1] > 0.0
    ns_out[...] = jnp.where(touched, h_ref[...], last_ref[...])


_sel_call = pl.pallas_call(
    _sel_body,
    grid=(N_NODES // ROW_BLOCK,),
    in_specs=[
        pl.BlockSpec((ROW_BLOCK, DIM), lambda i: (i, _z())),
        pl.BlockSpec((ROW_BLOCK, 16), lambda i: (i, _z())),
        pl.BlockSpec((ROW_BLOCK, DIM), lambda i: (i, _z())),
    ],
    out_specs=pl.BlockSpec((ROW_BLOCK, DIM), lambda i: (i, _z())),
    out_shape=jax.ShapeDtypeStruct((N_NODES, DIM), jnp.float32),
    compiler_params=pltpu.CompilerParams(
        dimension_semantics=("parallel",)),
)


LOSS_ROWS = E_PAD // DIM


def _loss_body(s_ref, out_ref):
    sarr = s_ref[...]
    z = -sarr
    sp = jnp.maximum(z, 0.0) + jnp.log1p(jnp.exp(-jnp.abs(z)))
    rows = lax.broadcasted_iota(jnp.int32, sarr.shape, 0)
    cols = lax.broadcasted_iota(jnp.int32, sarr.shape, 1)
    flat = rows * DIM + cols
    sp = jnp.where(flat < N_EDGES, sp, 0.0)
    out_ref[...] = jnp.full((1, 1), 1.0, jnp.float32) * (
        jnp.sum(sp) * (1.0 / N_EDGES))


_loss_call = pl.pallas_call(
    _loss_body,
    out_shape=jax.ShapeDtypeStruct((1, 1), jnp.float32),
)


def kernel(x, edge_index, W_enc, W_dec, last_h_storage):
    x = x.astype(jnp.float32)
    src = edge_index[0].astype(jnp.int32)
    dst = edge_index[1].astype(jnp.int32)
    pad = E_PAD - N_EDGES
    src_p = jnp.concatenate([src, jnp.broadcast_to(src[:1], (pad,))])
    dst_p = jnp.concatenate([dst, jnp.broadcast_to(dst[:1], (pad,))])
    idx_flat = jnp.concatenate([src_p, dst_p])
    zeros_c = jnp.zeros((N_NODES,), jnp.float32)

    mask_flat = _mask_kernel(idx_flat, zeros_c)
    mask_parts = mask_flat.reshape(NW, N_NODES)
    mask16 = _merge_call(mask_parts)
    h, g = _mm_call(x, W_enc.astype(jnp.float32), W_dec.astype(jnp.float32))
    new_storage = _sel_call(h, mask16, last_h_storage.astype(jnp.float32))
    src_q = src_p + (mask_flat[:1] * 0.0).astype(jnp.int32)
    scores = _score_kernel(g, h, src_q, dst_p)
    loss = _loss_call(scores.reshape(LOSS_ROWS, DIM)).reshape(1)
    return loss, new_storage

# --- scband reference (transcript-rebuilt; emitter-appended) ---
"""Pipeline reference for scband-orthrus-69793218560123 (READ-ONLY COPY).

The authoritative reference and input builder live on the scoring server;
editing this copy changes nothing except your own understanding.
"""

import jax, jax.numpy as jnp
import numpy as np
jax.config.update('jax_enable_x64', True)

NUM_NODES = 100000
IN_DIM = 128
OUT_DIM = 128
NUM_EDGES = 200000


def setup_inputs(seed: int = 0) -> dict:
    key = jax.random.key(seed)
    k1, k2, k3, k4 = jax.random.split(key, 4)
    x = jax.random.normal(k1, (NUM_NODES, IN_DIM), dtype=jnp.float32)
    edge_index = jax.random.randint(k2, (2, NUM_EDGES), 0, NUM_NODES, dtype=jnp.int64)
    # Learned parameters: simple MLP encoder weight + bilinear edge decoder weight
    W_enc = jax.random.normal(k3, (IN_DIM, OUT_DIM), dtype=jnp.float32) * 0.05
    W_dec = jax.random.normal(k4, (OUT_DIM, OUT_DIM), dtype=jnp.float32) * 0.05
    # Contrastive-learning storage buffer (num_nodes x out_dim), created in __init__
    last_h_storage = jnp.zeros((NUM_NODES, OUT_DIM), dtype=jnp.float32)
    return {"x": x, "edge_index": edge_index, "W_enc": W_enc, "W_dec": W_dec, "last_h_storage": last_h_storage}


def reference(x, edge_index, W_enc, W_dec, last_h_storage):
    # Encoder: per-node embedding h (concrete instantiation of the abstract encoder)
    h = jax.nn.relu(x @ W_enc)
    # Gather endpoint embeddings: h_src = h[edge_index[0]], h_dst = h[edge_index[1]]
    src = edge_index[0]
    dst = edge_index[1]
    h_src = jnp.take(h, src, axis=0)
    h_dst = jnp.take(h, dst, axis=0)
    # Contrastive-learning side effect: scatter-overwrite into the node memory
    # last_h_storage[involved_nodes] = cat([h_src, h_dst]).detach()
    involved_nodes = edge_index.reshape(-1)
    new_storage = last_h_storage.at[involved_nodes].set(
        jax.lax.stop_gradient(jnp.concatenate([h_src, h_dst], axis=0))
    )
    # Decoder (training mode): scalar loss accumulated onto zeros(1)
    score = jnp.sum((h_src @ W_dec) * h_dst, axis=-1)
    loss = jnp.zeros((1,), dtype=jnp.float32) + jnp.mean(jax.nn.softplus(-score)).reshape(1)
    return loss, new_storage

if __name__ == "__main__":
    import jax
    _d = setup_inputs()
    print(jax.jit(kernel)(*tuple(_d.values())))

</pallas_src>

<mosaic_0001>
#map = affine_map<(d0, d1) -> (0, 0)>
#map1 = affine_map<(d0, d1) -> (0)>
module attributes {stable_mosaic.version = 14 : i64} {
  func.func @_score_kernel(%arg0: i32, %arg1: i32, %arg2: memref<100000x128xf32, #tpu.memory_space<hbm>>, %arg3: memref<100000x128xf32, #tpu.memory_space<hbm>>, %arg4: memref<200704xi32, #tpu.memory_space<hbm>>, %arg5: memref<200704xi32, #tpu.memory_space<hbm>>, %arg6: memref<200704xf32, #tpu.memory_space<hbm>>, %arg7: memref<6272xi32, #tpu.memory_space<vmem>>, %arg8: memref<6272xi32, #tpu.memory_space<vmem>>, %arg9: memref<128x128xf32, #tpu.memory_space<vmem>>, %arg10: memref<128x128xf32, #tpu.memory_space<vmem>>, %arg11: memref<128x128xf32, #tpu.memory_space<vmem>>, %arg12: memref<128x128xf32, #tpu.memory_space<vmem>>, %arg13: memref<128xf32, #tpu.memory_space<vmem>>, %arg14: memref<128xf32, #tpu.memory_space<vmem>>, %arg15: memref<!tpu.dma_semaphore, #tpu.memory_space<semaphore_mem>>, %arg16: memref<!tpu.dma_semaphore, #tpu.memory_space<semaphore_mem>>) attributes {dimension_semantics = [#tpu.dimension_semantics<core_parallel>, #tpu.dimension_semantics<subcore_parallel>], iteration_bounds = array<i64: 2, 16>, scalar_prefetch = 0 : i64, scratch_operands = 10 : i64, tpu.core_type = #tpu.core_type<sc_vector_subcore>, window_params = [{transform_indices = #map}, {transform_indices = #map}, {transform_indices = #map1}, {transform_indices = #map1}, {transform_indices = #map1}]} {
    %mul3A = arith.constant 2 : i32
    %mul3A_0 = arith.muli %arg1, %mul3A : i32
    %add3A = arith.addi %mul3A_0, %arg0 : i32
    %iota3A = tpu.iota {dimensions = array<i32: 0>} : vector<16xi32>
    %eq3A = arith.constant 0 : i32
    %eq3A_1 = vector.broadcast %eq3A : i32 to vector<16xi32>
    %eq3A_2 = arith.cmpi eq, %iota3A, %eq3A_1 : vector<16xi32>
    %mul3A_3 = arith.constant 6272 : i32
    %mul3A_4 = arith.muli %add3A, %mul3A_3 : i32
    "tpu.region"() ({
      %run_scoped3A = tpu.sem_alloc : memref<!tpu.dma_semaphore, #tpu.memory_space<semaphore_mem>>
      %dma_start3A_65 = tpu.memref_slice %arg4[%mul3A_4] : memref<200704xi32, #tpu.memory_space<hbm>> -> memref<6272xi32, #tpu.memory_space<hbm>>
      %dma_start3A_66 = tpu.memref_slice %arg4[%mul3A_4] : memref<200704xi32, #tpu.memory_space<hbm>> -> memref<6272xi32, #tpu.memory_space<hbm>>
      tpu.enqueue_dma source(%dma_start3A_66 : memref<6272xi32, #tpu.memory_space<hbm>>) target(%arg7 : memref<6272xi32, #tpu.memory_space<vmem>>) target_semaphore(%run_scoped3A : memref<!tpu.dma_semaphore, #tpu.memory_space<semaphore_mem>>)
      %dma_wait3A_67 = tpu.memref_slice %arg4[%mul3A_4] : memref<200704xi32, #tpu.memory_space<hbm>> -> memref<6272xi32, #tpu.memory_space<hbm>>
      %dma_wait3A_68 = tpu.memref_slice %arg4[%mul3A_4] : memref<200704xi32, #tpu.memory_space<hbm>> -> memref<6272xi32, #tpu.memory_space<hbm>>
      tpu.wait_dma2 semaphore(%run_scoped3A : memref<!tpu.dma_semaphore, #tpu.memory_space<semaphore_mem>>) src(%dma_wait3A_68 : memref<6272xi32, #tpu.memory_space<hbm>>) dst(%arg7 : memref<6272xi32, #tpu.memory_space<vmem>>)
      tpu.yield
    }) : () -> ()
    "tpu.region"() ({
      %run_scoped3A = tpu.sem_alloc : memref<!tpu.dma_semaphore, #tpu.memory_space<semaphore_mem>>
      %dma_start3A_65 = tpu.memref_slice %arg5[%mul3A_4] : memref<200704xi32, #tpu.memory_space<hbm>> -> memref<6272xi32, #tpu.memory_space<hbm>>
      %dma_start3A_66 = tpu.memref_slice %arg5[%mul3A_4] : memref<200704xi32, #tpu.memory_space<hbm>> -> memref<6272xi32, #tpu.memory_space<hbm>>
      tpu.enqueue_dma source(%dma_start3A_66 : memref<6272xi32, #tpu.memory_space<hbm>>) target(%arg8 : memref<6272xi32, #tpu.memory_space<vmem>>) target_semaphore(%run_scoped3A : memref<!tpu.dma_semaphore, #tpu.memory_space<semaphore_mem>>)
      %dma_wait3A_67 = tpu.memref_slice %arg5[%mul3A_4] : memref<200704xi32, #tpu.memory_space<hbm>> -> memref<6272xi32, #tpu.memory_space<hbm>>
      %dma_wait3A_68 = tpu.memref_slice %arg5[%mul3A_4] : memref<200704xi32, #tpu.memory_space<hbm>> -> memref<6272xi32, #tpu.memory_space<hbm>>
      tpu.wait_dma2 semaphore(%run_scoped3A : memref<!tpu.dma_semaphore, #tpu.memory_space<semaphore_mem>>) src(%dma_wait3A_68 : memref<6272xi32, #tpu.memory_space<hbm>>) dst(%arg8 : memref<6272xi32, #tpu.memory_space<vmem>>)
      tpu.yield
    }) : () -> ()
    %mul3A_5 = arith.constant 0 : i32
    %mul3A_6 = arith.constant 128 : i32
    %mul3A_7 = arith.muli %mul3A_5, %mul3A_6 : i32
    %dma_start3A = tpu.memref_slice %arg7[%mul3A_7] : memref<6272xi32, #tpu.memory_space<vmem>> -> memref<128xi32, #tpu.memory_space<vmem>>
    %dma_start3A_8 = arith.constant 0 : i32
    %dma_start3A_9 = arith.constant 0 : i32
    %dma_start3A_10 = tpu.memref_slice %arg2[%dma_start3A_8, %dma_start3A_9] : memref<100000x128xf32, #tpu.memory_space<hbm>> -> memref<100000x128xf32, #tpu.memory_space<hbm>>
    tpu.enqueue_indirect_dma source(%dma_start3A_10 : memref<100000x128xf32, #tpu.memory_space<hbm>>) target(%arg9 : memref<128x128xf32, #tpu.memory_space<vmem>>) offsets(%dma_start3A : memref<128xi32, #tpu.memory_space<vmem>>) semaphore(%arg15 : memref<!tpu.dma_semaphore, #tpu.memory_space<semaphore_mem>>)
    %dma_start3A_11 = tpu.memref_slice %arg8[%mul3A_7] : memref<6272xi32, #tpu.memory_space<vmem>> -> memref<128xi32, #tpu.memory_space<vmem>>
    %dma_start3A_12 = arith.constant 0 : i32
    %dma_start3A_13 = arith.constant 0 : i32
    %dma_start3A_14 = tpu.memref_slice %arg3[%dma_start3A_12, %dma_start3A_13] : memref<100000x128xf32, #tpu.memory_space<hbm>> -> memref<100000x128xf32, #tpu.memory_space<hbm>>
    tpu.enqueue_indirect_dma source(%dma_start3A_14 : memref<100000x128xf32, #tpu.memory_space<hbm>>) target(%arg10 : memref<128x128xf32, #tpu.memory_space<vmem>>) offsets(%dma_start3A_11 : memref<128xi32, #tpu.memory_space<vmem>>) semaphore(%arg15 : memref<!tpu.dma_semaphore, #tpu.memory_space<semaphore_mem>>)
    %sub3A = arith.constant 24 : i32
    %sub3A_15 = arith.constant 0 : i32
    %sub3A_16 = arith.subi %sub3A, %sub3A_15 : i32
    %sub3A_17 = arith.constant 1 : i32
    %sub3A_18 = arith.constant 1 : i32
    %sub3A_19 = arith.subi %sub3A_17, %sub3A_18 : i32
    %add3A_20 = arith.addi %sub3A_16, %sub3A_19 : i32
    %div3A = arith.constant 1 : i32
    %div3A_21 = arith.divsi %add3A_20, %div3A : i32
    %while3A = arith.constant 1 : i32
    %while3A_22 = arith.constant 0 : i32
    %while3A_23 = arith.constant 0 : i32
    %while3A_24 = arith.subi %div3A_21, %while3A_23 : i32
    %while3A_25 = arith.addi %while3A_23, %while3A_24 : i32
    %while3A_26 = arith.constant 1 : i32
    %while3A_27 = arith.divsi %while3A_24, %while3A_26 : i32
    %while3A_28 = arith.muli %while3A_27, %while3A_26 : i32
    %while3A_29 = arith.addi %while3A_23, %while3A_28 : i32
    %while3A_30 = arith.constant 1 : i32
    scf.for %while3A_65 = %while3A_23 to %while3A_29 step %while3A_30  : i32 {
      %mul3A_66 = arith.muli %while3A_65, %while3A : i32
      %add3A_67 = arith.addi %while3A_22, %mul3A_66 : i32
      %mul3A_68 = arith.constant 2 : i32
      %mul3A_69 = arith.muli %add3A_67, %mul3A_68 : i32
      %add3A_70 = arith.constant 1 : i32
      %add3A_71 = arith.addi %mul3A_69, %add3A_70 : i32
      %mul3A_72 = arith.constant 128 : i32
      %mul3A_73 = arith.muli %add3A_71, %mul3A_72 : i32
      %dma_start3A_74 = tpu.memref_slice %arg7[%mul3A_73] : memref<6272xi32, #tpu.memory_space<vmem>> -> memref<128xi32, #tpu.memory_space<vmem>>
      %dma_start3A_75 = arith.constant 0 : i32
      %dma_start3A_76 = arith.constant 0 : i32
      %dma_start3A_77 = tpu.memref_slice %arg2[%dma_start3A_75, %dma_start3A_76] : memref<100000x128xf32, #tpu.memory_space<hbm>> -> memref<100000x128xf32, #tpu.memory_space<hbm>>
      tpu.enqueue_indirect_dma source(%dma_start3A_77 : memref<100000x128xf32, #tpu.memory_space<hbm>>) target(%arg11 : memref<128x128xf32, #tpu.memory_space<vmem>>) offsets(%dma_start3A_74 : memref<128xi32, #tpu.memory_space<vmem>>) semaphore(%arg16 : memref<!tpu.dma_semaphore, #tpu.memory_space<semaphore_mem>>)
      %dma_start3A_78 = tpu.memref_slice %arg8[%mul3A_73] : memref<6272xi32, #tpu.memory_space<vmem>> -> memref<128xi32, #tpu.memory_space<vmem>>
      %dma_start3A_79 = arith.constant 0 : i32
      %dma_start3A_80 = arith.constant 0 : i32
      %dma_start3A_81 = tpu.memref_slice %arg3[%dma_start3A_79, %dma_start3A_80] : memref<100000x128xf32, #tpu.memory_space<hbm>> -> memref<100000x128xf32, #tpu.memory_space<hbm>>
      tpu.enqueue_indirect_dma source(%dma_start3A_81 : memref<100000x128xf32, #tpu.memory_space<hbm>>) target(%arg12 : memref<128x128xf32, #tpu.memory_space<vmem>>) offsets(%dma_start3A_78 : memref<128xi32, #tpu.memory_space<vmem>>) semaphore(%arg16 : memref<!tpu.dma_semaphore, #tpu.memory_space<semaphore_mem>>)
      %dma_wait3A_82 = arith.constant 0 : i32
      %dma_wait3A_83 = tpu.memref_slice %arg7[%dma_wait3A_82] : memref<6272xi32, #tpu.memory_space<vmem>> -> memref<128xi32, #tpu.memory_space<vmem>>
      %dma_wait3A_84 = arith.constant 0 : i32
      %dma_wait3A_85 = arith.constant 0 : i32
      %dma_wait3A_86 = tpu.memref_slice %arg2[%dma_wait3A_84, %dma_wait3A_85] : memref<100000x128xf32, #tpu.memory_space<hbm>> -> memref<100000x128xf32, #tpu.memory_space<hbm>>
      tpu.wait_indirect_dma semaphore(%arg15 : memref<!tpu.dma_semaphore, #tpu.memory_space<semaphore_mem>>) src(%dma_wait3A_86 : memref<100000x128xf32, #tpu.memory_space<hbm>>) dst(%arg9 : memref<128x128xf32, #tpu.memory_space<vmem>>)
      %dma_wait3A_87 = arith.constant 0 : i32
      %dma_wait3A_88 = tpu.memref_slice %arg8[%dma_wait3A_87] : memref<6272xi32, #tpu.memory_space<vmem>> -> memref<128xi32, #tpu.memory_space<vmem>>
      %dma_wait3A_89 = arith.constant 0 : i32
      %dma_wait3A_90 = arith.constant 0 : i32
      %dma_wait3A_91 = tpu.memref_slice %arg3[%dma_wait3A_89, %dma_wait3A_90] : memref<100000x128xf32, #tpu.memory_space<hbm>> -> memref<100000x128xf32, #tpu.memory_space<hbm>>
      tpu.wait_indirect_dma semaphore(%arg15 : memref<!tpu.dma_semaphore, #tpu.memory_space<semaphore_mem>>) src(%dma_wait3A_91 : memref<100000x128xf32, #tpu.memory_space<hbm>>) dst(%arg10 : memref<128x128xf32, #tpu.memory_space<vmem>>)
      %sub3A_92 = arith.constant 128 : i32
      %sub3A_93 = arith.constant 0 : i32
      %sub3A_94 = arith.subi %sub3A_92, %sub3A_93 : i32
      %sub3A_95 = arith.constant 1 : i32
      %sub3A_96 = arith.constant 1 : i32
      %sub3A_97 = arith.subi %sub3A_95, %sub3A_96 : i32
      %add3A_98 = arith.addi %sub3A_94, %sub3A_97 : i32
      %div3A_99 = arith.constant 1 : i32
      %div3A_100 = arith.divsi %add3A_98, %div3A_99 : i32
      %while3A_101 = arith.constant 1 : i32
      %while3A_102 = arith.constant 0 : i32
      %while3A_103 = arith.constant 0 : i32
      %while3A_104 = arith.subi %div3A_100, %while3A_103 : i32
      %while3A_105 = arith.addi %while3A_103, %while3A_104 : i32
      %while3A_106 = arith.constant 1 : i32
      %while3A_107 = arith.divsi %while3A_104, %while3A_106 : i32
      %while3A_108 = arith.muli %while3A_107, %while3A_106 : i32
      %while3A_109 = arith.addi %while3A_103, %while3A_108 : i32
      %while3A_110 = arith.constant 1 : i32
      scf.for %while3A_160 = %while3A_103 to %while3A_109 step %while3A_110  : i32 {
        %mul3A_161 = arith.muli %while3A_160, %while3A_101 : i32
        %add3A_162 = arith.addi %while3A_102, %mul3A_161 : i32
        %get3A = arith.index_cast %add3A_162 : i32 to index
        %get3A_163 = arith.constant 0 : index
        %get3A_164 = tpu.vector_load %arg9[%get3A, %get3A_163] {strides = array<i32>} : memref<128x128xf32, #tpu.memory_space<vmem>>, vector<16xf32>,
        %get3A_165 = arith.index_cast %add3A_162 : i32 to index
        %get3A_166 = arith.constant 0 : index
        %get3A_167 = tpu.vector_load %arg10[%get3A_165, %get3A_166] {strides = array<i32>} : memref<128x128xf32, #tpu.memory_space<vmem>>, vector<16xf32>,
        %mul3A_168 = arith.mulf %get3A_164, %get3A_167 : vector<16xf32>
        %get3A_169 = arith.index_cast %add3A_162 : i32 to index
        %get3A_170 = arith.constant 16 : index
        %get3A_171 = tpu.vector_load %arg9[%get3A_169, %get3A_170] {strides = array<i32>} : memref<128x128xf32, #tpu.memory_space<vmem>>, vector<16xf32>,
        %get3A_172 = arith.index_cast %add3A_162 : i32 to index
        %get3A_173 = arith.constant 16 : index
        %get3A_174 = tpu.vector_load %arg10[%get3A_172, %get3A_173] {strides = array<i32>} : memref<128x128xf32, #tpu.memory_space<vmem>>, vector<16xf32>,
        %mul3A_175 = arith.mulf %get3A_171, %get3A_174 : vector<16xf32>
        %add3A_176 = arith.addf %mul3A_168, %mul3A_175 : vector<16xf32>
        %get3A_177 = arith.index_cast %add3A_162 : i32 to index
        %get3A_178 = arith.constant 32 : index
        %get3A_179 = tpu.vector_load %arg9[%get3A_177, %get3A_178] {strides = array<i32>} : memref<128x128xf32, #tpu.memory_space<vmem>>, vector<16xf32>,
        %get3A_180 = arith.index_cast %add3A_162 : i32 to index
        %get3A_181 = arith.constant 32 : index
        %get3A_182 = tpu.vector_load %arg10[%get3A_180, %get3A_181] {strides = array<i32>} : memref<128x128xf32, #tpu.memory_space<vmem>>, vector<16xf32>,
        %mul3A_183 = arith.mulf %get3A_179, %get3A_182 : vector<16xf32>
        %add3A_184 = arith.addf %add3A_176, %mul3A_183 : vector<16xf32>
        %get3A_185 = arith.index_cast %add3A_162 : i32 to index
        %get3A_186 = arith.constant 48 : index
        %get3A_187 = tpu.vector_load %arg9[%get3A_185, %get3A_186] {strides = array<i32>} : memref<128x128xf32, #tpu.memory_space<vmem>>, vector<16xf32>,
        %get3A_188 = arith.index_cast %add3A_162 : i32 to index
        %get3A_189 = arith.constant 48 : index
        %get3A_190 = tpu.vector_load %arg10[%get3A_188, %get3A_189] {strides = array<i32>} : memref<128x128xf32, #tpu.memory_space<vmem>>, vector<16xf32>,
        %mul3A_191 = arith.mulf %get3A_187, %get3A_190 : vector<16xf32>
        %add3A_192 = arith.addf %add3A_184, %mul3A_191 : vector<16xf32>
        %get3A_193 = arith.index_cast %add3A_162 : i32 to index
        %get3A_194 = arith.constant 64 : index
        %get3A_195 = tpu.vector_load %arg9[%get3A_193, %get3A_194] {strides = array<i32>} : memref<128x128xf32, #tpu.memory_space<vmem>>, vector<16xf32>,
        %get3A_196 = arith.index_cast %add3A_162 : i32 to index
        %get3A_197 = arith.constant 64 : index
        %get3A_198 = tpu.vector_load %arg10[%get3A_196, %get3A_197] {strides = array<i32>} : memref<128x128xf32, #tpu.memory_space<vmem>>, vector<16xf32>,
        %mul3A_199 = arith.mulf %get3A_195, %get3A_198 : vector<16xf32>
        %add3A_200 = arith.addf %add3A_192, %mul3A_199 : vector<16xf32>
        %get3A_201 = arith.index_cast %add3A_162 : i32 to index
        %get3A_202 = arith.constant 80 : index
        %get3A_203 = tpu.vector_load %arg9[%get3A_201, %get3A_202] {strides = array<i32>} : memref<128x128xf32, #tpu.memory_space<vmem>>, vector<16xf32>,
        %get3A_204 = arith.index_cast %add3A_162 : i32 to index
        %get3A_205 = arith.constant 80 : index
        %get3A_206 = tpu.vector_load %arg10[%get3A_204, %get3A_205] {strides = array<i32>} : memref<128x128xf32, #tpu.memory_space<vmem>>, vector<16xf32>,
        %mul3A_207 = arith.mulf %get3A_203, %get3A_206 : vector<16xf32>
        %add3A_208 = arith.addf %add3A_200, %mul3A_207 : vector<16xf32>
        %get3A_209 = arith.index_cast %add3A_162 : i32 to index
        %get3A_210 = arith.constant 96 : index
        %get3A_211 = tpu.vector_load %arg9[%get3A_209, %get3A_210] {strides = array<i32>} : memref<128x128xf32, #tpu.memory_space<vmem>>, vector<16xf32>,
        %get3A_212 = arith.index_cast %add3A_162 : i32 to index
        %get3A_213 = arith.constant 96 : index
        %get3A_214 = tpu.vector_load %arg10[%get3A_212, %get3A_213] {strides = array<i32>} : memref<128x128xf32, #tpu.memory_space<vmem>>, vector<16xf32>,
        %mul3A_215 = arith.mulf %get3A_211, %get3A_214 : vector<16xf32>
        %add3A_216 = arith.addf %add3A_208, %mul3A_215 : vector<16xf32>
        %get3A_217 = arith.index_cast %add3A_162 : i32 to index
        %get3A_218 = arith.constant 112 : index
        %get3A_219 = tpu.vector_load %arg9[%get3A_217, %get3A_218] {strides = array<i32>} : memref<128x128xf32, #tpu.memory_space<vmem>>, vector<16xf32>,
        %get3A_220 = arith.index_cast %add3A_162 : i32 to index
        %get3A_221 = arith.constant 112 : index
        %get3A_222 = tpu.vector_load %arg10[%get3A_220, %get3A_221] {strides = array<i32>} : memref<128x128xf32, #tpu.memory_space<vmem>>, vector<16xf32>,
        %mul3A_223 = arith.mulf %get3A_219, %get3A_222 : vector<16xf32>
        %add3A_224 = arith.addf %add3A_216, %mul3A_223 : vector<16xf32>
        %reduce_sum3A = arith.constant true
        %reduce_sum3A_225 = vector.broadcast %reduce_sum3A : i1 to vector<16xi1>
        %reduce_sum3A_226 = tpu.scan <sum>, %add3A_224 masked %reduce_sum3A_225 : vector<16xf32>, vector<16xi1> -> vector<16xf32>
        %reduce_sum3A_227 = vector.extract %reduce_sum3A_226[15] : f32 from vector<16xf32>
        %broadcast_in_dim3A = vector.broadcast %reduce_sum3A_227 : f32 to vector<16xf32>
        %broadcast_in_dim3A_228 = vector.broadcast %add3A_162 : i32 to vector<16xi32>
        tpu.vector_store_idx %arg13[%broadcast_in_dim3A_228], %broadcast_in_dim3A masked %eq3A_2 : memref<128xf32, #tpu.memory_space<vmem>>[vector<16xi32>], vector<16xf32>, vector<16xi1>
      }
      %while3A_111 = arith.constant 1 : i32
      scf.for %while3A_160 = %while3A_109 to %while3A_105 step %while3A_111  : i32 {
        %mul3A_161 = arith.muli %while3A_160, %while3A_101 : i32
        %add3A_162 = arith.addi %while3A_102, %mul3A_161 : i32
        %get3A = arith.index_cast %add3A_162 : i32 to index
        %get3A_163 = arith.constant 0 : index
        %get3A_164 = tpu.vector_load %arg9[%get3A, %get3A_163] {strides = array<i32>} : memref<128x128xf32, #tpu.memory_space<vmem>>, vector<16xf32>,
        %get3A_165 = arith.index_cast %add3A_162 : i32 to index
        %get3A_166 = arith.constant 0 : index
        %get3A_167 = tpu.vector_load %arg10[%get3A_165, %get3A_166] {strides = array<i32>} : memref<128x128xf32, #tpu.memory_space<vmem>>, vector<16xf32>,
        %mul3A_168 = arith.mulf %get3A_164, %get3A_167 : vector<16xf32>
        %get3A_169 = arith.index_cast %add3A_162 : i32 to index
        %get3A_170 = arith.constant 16 : index
        %get3A_171 = tpu.vector_load %arg9[%get3A_169, %get3A_170] {strides = array<i32>} : memref<128x128xf32, #tpu.memory_space<vmem>>, vector<16xf32>,
        %get3A_172 = arith.index_cast %add3A_162 : i32 to index
        %get3A_173 = arith.constant 16 : index
        %get3A_174 = tpu.vector_load %arg10[%get3A_172, %get3A_173] {strides = array<i32>} : memref<128x128xf32, #tpu.memory_space<vmem>>, vector<16xf32>,
        %mul3A_175 = arith.mulf %get3A_171, %get3A_174 : vector<16xf32>
        %add3A_176 = arith.addf %mul3A_168, %mul3A_175 : vector<16xf32>
        %get3A_177 = arith.index_cast %add3A_162 : i32 to index
        %get3A_178 = arith.constant 32 : index
        %get3A_179 = tpu.vector_load %arg9[%get3A_177, %get3A_178] {strides = array<i32>} : memref<128x128xf32, #tpu.memory_space<vmem>>, vector<16xf32>,
        %get3A_180 = arith.index_cast %add3A_162 : i32 to index
        %get3A_181 = arith.constant 32 : index
        %get3A_182 = tpu.vector_load %arg10[%get3A_180, %get3A_181] {strides = array<i32>} : memref<128x128xf32, #tpu.memory_space<vmem>>, vector<16xf32>,
        %mul3A_183 = arith.mulf %get3A_179, %get3A_182 : vector<16xf32>
        %add3A_184 = arith.addf %add3A_176, %mul3A_183 : vector<16xf32>
        %get3A_185 = arith.index_cast %add3A_162 : i32 to index
        %get3A_186 = arith.constant 48 : index
        %get3A_187 = tpu.vector_load %arg9[%get3A_185, %get3A_186] {strides = array<i32>} : memref<128x128xf32, #tpu.memory_space<vmem>>, vector<16xf32>,
        %get3A_188 = arith.index_cast %add3A_162 : i32 to index
        %get3A_189 = arith.constant 48 : index
        %get3A_190 = tpu.vector_load %arg10[%get3A_188, %get3A_189] {strides = array<i32>} : memref<128x128xf32, #tpu.memory_space<vmem>>, vector<16xf32>,
        %mul3A_191 = arith.mulf %get3A_187, %get3A_190 : vector<16xf32>
        %add3A_192 = arith.addf %add3A_184, %mul3A_191 : vector<16xf32>
        %get3A_193 = arith.index_cast %add3A_162 : i32 to index
        %get3A_194 = arith.constant 64 : index
        %get3A_195 = tpu.vector_load %arg9[%get3A_193, %get3A_194] {strides = array<i32>} : memref<128x128xf32, #tpu.memory_space<vmem>>, vector<16xf32>,
        %get3A_196 = arith.index_cast %add3A_162 : i32 to index
        %get3A_197 = arith.constant 64 : index
        %get3A_198 = tpu.vector_load %arg10[%get3A_196, %get3A_197] {strides = array<i32>} : memref<128x128xf32, #tpu.memory_space<vmem>>, vector<16xf32>,
        %mul3A_199 = arith.mulf %get3A_195, %get3A_198 : vector<16xf32>
        %add3A_200 = arith.addf %add3A_192, %mul3A_199 : vector<16xf32>
        %get3A_201 = arith.index_cast %add3A_162 : i32 to index
        %get3A_202 = arith.constant 80 : index
        %get3A_203 = tpu.vector_load %arg9[%get3A_201, %get3A_202] {strides = array<i32>} : memref<128x128xf32, #tpu.memory_space<vmem>>, vector<16xf32>,
        %get3A_204 = arith.index_cast %add3A_162 : i32 to index
        %get3A_205 = arith.constant 80 : index
        %get3A_206 = tpu.vector_load %arg10[%get3A_204, %get3A_205] {strides = array<i32>} : memref<128x128xf32, #tpu.memory_space<vmem>>, vector<16xf32>,
        %mul3A_207 = arith.mulf %get3A_203, %get3A_206 : vector<16xf32>
        %add3A_208 = arith.addf %add3A_200, %mul3A_207 : vector<16xf32>
        %get3A_209 = arith.index_cast %add3A_162 : i32 to index
        %get3A_210 = arith.constant 96 : index
        %get3A_211 = tpu.vector_load %arg9[%get3A_209, %get3A_210] {strides = array<i32>} : memref<128x128xf32, #tpu.memory_space<vmem>>, vector<16xf32>,
        %get3A_212 = arith.index_cast %add3A_162 : i32 to index
        %get3A_213 = arith.constant 96 : index
        %get3A_214 = tpu.vector_load %arg10[%get3A_212, %get3A_213] {strides = array<i32>} : memref<128x128xf32, #tpu.memory_space<vmem>>, vector<16xf32>,
        %mul3A_215 = arith.mulf %get3A_211, %get3A_214 : vector<16xf32>
        %add3A_216 = arith.addf %add3A_208, %mul3A_215 : vector<16xf32>
        %get3A_217 = arith.index_cast %add3A_162 : i32 to index
        %get3A_218 = arith.constant 112 : index
        %get3A_219 = tpu.vector_load %arg9[%get3A_217, %get3A_218] {strides = array<i32>} : memref<128x128xf32, #tpu.memory_space<vmem>>, vector<16xf32>,
        %get3A_220 = arith.index_cast %add3A_162 : i32 to index
        %get3A_221 = arith.constant 112 : index
        %get3A_222 = tpu.vector_load %arg10[%get3A_220, %get3A_221] {strides = array<i32>} : memref<128x128xf32, #tpu.memory_space<vmem>>, vector<16xf32>,
        %mul3A_223 = arith.mulf %get3A_219, %get3A_222 : vector<16xf32>
        %add3A_224 = arith.addf %add3A_216, %mul3A_223 : vector<16xf32>
        %reduce_sum3A = arith.constant true
        %reduce_sum3A_225 = vector.broadcast %reduce_sum3A : i1 to vector<16xi1>
        %reduce_sum3A_226 = tpu.scan <sum>, %add3A_224 masked %reduce_sum3A_225 : vector<16xf32>, vector<16xi1> -> vector<16xf32>
        %reduce_sum3A_227 = vector.extract %reduce_sum3A_226[15] : f32 from vector<16xf32>
        %broadcast_in_dim3A = vector.broadcast %reduce_sum3A_227 : f32 to vector<16xf32>
        %broadcast_in_dim3A_228 = vector.broadcast %add3A_162 : i32 to vector<16xi32>
        tpu.vector_store_idx %arg13[%broadcast_in_dim3A_228], %broadcast_in_dim3A masked %eq3A_2 : memref<128xf32, #tpu.memory_space<vmem>>[vector<16xi32>], vector<16xf32>, vector<16xi1>
      }
      %mul3A_112 = arith.constant 128 : i32
      %mul3A_113 = arith.muli %mul3A_69, %mul3A_112 : i32
      %add3A_114 = arith.addi %mul3A_4, %mul3A_113 : i32
      "tpu.region"() ({
        %run_scoped3A = tpu.sem_alloc : memref<!tpu.dma_semaphore, #tpu.memory_space<semaphore_mem>>
        %dma_start3A_160 = tpu.memref_slice %arg6[%add3A_114] : memref<200704xf32, #tpu.memory_space<hbm>> -> memref<128xf32, #tpu.memory_space<hbm>>
        %dma_start3A_161 = tpu.memref_slice %arg6[%add3A_114] : memref<200704xf32, #tpu.memory_space<hbm>> -> memref<128xf32, #tpu.memory_space<hbm>>
        tpu.enqueue_dma source(%arg13 : memref<128xf32, #tpu.memory_space<vmem>>) target(%dma_start3A_161 : memref<128xf32, #tpu.memory_space<hbm>>) target_semaphore(%run_scoped3A : memref<!tpu.dma_semaphore, #tpu.memory_space<semaphore_mem>>)
        %dma_wait3A_162 = tpu.memref_slice %arg6[%add3A_114] : memref<200704xf32, #tpu.memory_space<hbm>> -> memref<128xf32, #tpu.memory_space<hbm>>
        %dma_wait3A_163 = tpu.memref_slice %arg6[%add3A_114] : memref<200704xf32, #tpu.memory_space<hbm>> -> memref<128xf32, #tpu.memory_space<hbm>>
        tpu.wait_dma2 semaphore(%run_scoped3A : memref<!tpu.dma_semaphore, #tpu.memory_space<semaphore_mem>>) src(%arg13 : memref<128xf32, #tpu.memory_space<vmem>>) dst(%dma_wait3A_163 : memref<128xf32, #tpu.memory_space<hbm>>)
        tpu.yield
      }) : () -> ()
      %add3A_115 = arith.constant 2 : i32
      %add3A_116 = arith.addi %mul3A_69, %add3A_115 : i32
      %mul3A_117 = arith.constant 128 : i32
      %mul3A_118 = arith.muli %add3A_116, %mul3A_117 : i32
      %dma_start3A_119 = tpu.memref_slice %arg7[%mul3A_118] : memref<6272xi32, #tpu.memory_space<vmem>> -> memref<128xi32, #tpu.memory_space<vmem>>
      %dma_start3A_120 = arith.constant 0 : i32
      %dma_start3A_121 = arith.constant 0 : i32
      %dma_start3A_122 = tpu.memref_slice %arg2[%dma_start3A_120, %dma_start3A_121] : memref<100000x128xf32, #tpu.memory_space<hbm>> -> memref<100000x128xf32, #tpu.memory_space<hbm>>
      tpu.enqueue_indirect_dma source(%dma_start3A_122 : memref<100000x128xf32, #tpu.memory_space<hbm>>) target(%arg9 : memref<128x128xf32, #tpu.memory_space<vmem>>) offsets(%dma_start3A_119 : memref<128xi32, #tpu.memory_space<vmem>>) semaphore(%arg15 : memref<!tpu.dma_semaphore, #tpu.memory_space<semaphore_mem>>)
      %dma_start3A_123 = tpu.memref_slice %arg8[%mul3A_118] : memref<6272xi32, #tpu.memory_space<vmem>> -> memref<128xi32, #tpu.memory_space<vmem>>
      %dma_start3A_124 = arith.constant 0 : i32
      %dma_start3A_125 = arith.constant 0 : i32
      %dma_start3A_126 = tpu.memref_slice %arg3[%dma_start3A_124, %dma_start3A_125] : memref<100000x128xf32, #tpu.memory_space<hbm>> -> memref<100000x128xf32, #tpu.memory_space<hbm>>
      tpu.enqueue_indirect_dma source(%dma_start3A_126 : memref<100000x128xf32, #tpu.memory_space<hbm>>) target(%arg10 : memref<128x128xf32, #tpu.memory_space<vmem>>) offsets(%dma_start3A_123 : memref<128xi32, #tpu.memory_space<vmem>>) semaphore(%arg15 : memref<!tpu.dma_semaphore, #tpu.memory_space<semaphore_mem>>)
      %dma_wait3A_127 = arith.constant 0 : i32
      %dma_wait3A_128 = tpu.memref_slice %arg7[%dma_wait3A_127] : memref<6272xi32, #tpu.memory_space<vmem>> -> memref<128xi32, #tpu.memory_space<vmem>>
      %dma_wait3A_129 = arith.constant 0 : i32
      %dma_wait3A_130 = arith.constant 0 : i32
      %dma_wait3A_131 = tpu.memref_slice %arg2[%dma_wait3A_129, %dma_wait3A_130] : memref<100000x128xf32, #tpu.memory_space<hbm>> -> memref<100000x128xf32, #tpu.memory_space<hbm>>
      tpu.wait_indirect_dma semaphore(%arg16 : memref<!tpu.dma_semaphore, #tpu.memory_space<semaphore_mem>>) src(%dma_wait3A_131 : memref<100000x128xf32, #tpu.memory_space<hbm>>) dst(%arg11 : memref<128x128xf32, #tpu.memory_space<vmem>>)
      %dma_wait3A_132 = arith.constant 0 : i32
      %dma_wait3A_133 = tpu.memref_slice %arg8[%dma_wait3A_132] : memref<6272xi32, #tpu.memory_space<vmem>> -> memref<128xi32, #tpu.memory_space<vmem>>
      %dma_wait3A_134 = arith.constant 0 : i32
      %dma_wait3A_135 = arith.constant 0 : i32
      %dma_wait3A_136 = tpu.memref_slice %arg3[%dma_wait3A_134, %dma_wait3A_135] : memref<100000x128xf32, #tpu.memory_space<hbm>> -> memref<100000x128xf32, #tpu.memory_space<hbm>>
      tpu.wait_indirect_dma semaphore(%arg16 : memref<!tpu.dma_semaphore, #tpu.memory_space<semaphore_mem>>) src(%dma_wait3A_136 : memref<100000x128xf32, #tpu.memory_space<hbm>>) dst(%arg12 : memref<128x128xf32, #tpu.memory_space<vmem>>)
      %sub3A_137 = arith.constant 128 : i32
      %sub3A_138 = arith.constant 0 : i32
      %sub3A_139 = arith.subi %sub3A_137, %sub3A_138 : i32
      %sub3A_140 = arith.constant 1 : i32
      %sub3A_141 = arith.constant 1 : i32
      %sub3A_142 = arith.subi %sub3A_140, %sub3A_141 : i32
      %add3A_143 = arith.addi %sub3A_139, %sub3A_142 : i32
      %div3A_144 = arith.constant 1 : i32
      %div3A_145 = arith.divsi %add3A_143, %div3A_144 : i32
      %while3A_146 = arith.constant 1 : i32
      %while3A_147 = arith.constant 0 : i32
      %while3A_148 = arith.constant 0 : i32
      %while3A_149 = arith.subi %div3A_145, %while3A_148 : i32
      %while3A_150 = arith.addi %while3A_148, %while3A_149 : i32
      %while3A_151 = arith.constant 1 : i32
      %while3A_152 = arith.divsi %while3A_149, %while3A_151 : i32
      %while3A_153 = arith.muli %while3A_152, %while3A_151 : i32
      %while3A_154 = arith.addi %while3A_148, %while3A_153 : i32
      %while3A_155 = arith.constant 1 : i32
      scf.for %while3A_160 = %while3A_148 to %while3A_154 step %while3A_155  : i32 {
        %mul3A_161 = arith.muli %while3A_160, %while3A_146 : i32
        %add3A_162 = arith.addi %while3A_147, %mul3A_161 : i32
        %get3A = arith.index_cast %add3A_162 : i32 to index
        %get3A_163 = arith.constant 0 : index
        %get3A_164 = tpu.vector_load %arg11[%get3A, %get3A_163] {strides = array<i32>} : memref<128x128xf32, #tpu.memory_space<vmem>>, vector<16xf32>,
        %get3A_165 = arith.index_cast %add3A_162 : i32 to index
        %get3A_166 = arith.constant 0 : index
        %get3A_167 = tpu.vector_load %arg12[%get3A_165, %get3A_166] {strides = array<i32>} : memref<128x128xf32, #tpu.memory_space<vmem>>, vector<16xf32>,
        %mul3A_168 = arith.mulf %get3A_164, %get3A_167 : vector<16xf32>
        %get3A_169 = arith.index_cast %add3A_162 : i32 to index
        %get3A_170 = arith.constant 16 : index
        %get3A_171 = tpu.vector_load %arg11[%get3A_169, %get3A_170] {strides = array<i32>} : memref<128x128xf32, #tpu.memory_space<vmem>>, vector<16xf32>,
        %get3A_172 = arith.index_cast %add3A_162 : i32 to index
        %get3A_173 = arith.constant 16 : index
        %get3A_174 = tpu.vector_load %arg12[%get3A_172, %get3A_173] {strides = array<i32>} : memref<128x128xf32, #tpu.memory_space<vmem>>, vector<16xf32>,
        %mul3A_175 = arith.mulf %get3A_171, %get3A_174 : vector<16xf32>
        %add3A_176 = arith.addf %mul3A_168, %mul3A_175 : vector<16xf32>
        %get3A_177 = arith.index_cast %add3A_162 : i32 to index
        %get3A_178 = arith.constant 32 : index
        %get3A_179 = tpu.vector_load %arg11[%get3A_177, %get3A_178] {strides = array<i32>} : memref<128x128xf32, #tpu.memory_space<vmem>>, vector<16xf32>,
        %get3A_180 = arith.index_cast %add3A_162 : i32 to index
        %get3A_181 = arith.constant 32 : index
        %get3A_182 = tpu.vector_load %arg12[%get3A_180, %get3A_181] {strides = array<i32>} : memref<128x128xf32, #tpu.memory_space<vmem>>, vector<16xf32>,
        %mul3A_183 = arith.mulf %get3A_179, %get3A_182 : vector<16xf32>
        %add3A_184 = arith.addf %add3A_176, %mul3A_183 : vector<16xf32>
        %get3A_185 = arith.index_cast %add3A_162 : i32 to index
        %get3A_186 = arith.constant 48 : index
        %get3A_187 = tpu.vector_load %arg11[%get3A_185, %get3A_186] {strides = array<i32>} : memref<128x128xf32, #tpu.memory_space<vmem>>, vector<16xf32>,
        %get3A_188 = arith.index_cast %add3A_162 : i32 to index
        %get3A_189 = arith.constant 48 : index
        %get3A_190 = tpu.vector_load %arg12[%get3A_188, %get3A_189] {strides = array<i32>} : memref<128x128xf32, #tpu.memory_space<vmem>>, vector<16xf32>,
        %mul3A_191 = arith.mulf %get3A_187, %get3A_190 : vector<16xf32>
        %add3A_192 = arith.addf %add3A_184, %mul3A_191 : vector<16xf32>
        %get3A_193 = arith.index_cast %add3A_162 : i32 to index
        %get3A_194 = arith.constant 64 : index
        %get3A_195 = tpu.vector_load %arg11[%get3A_193, %get3A_194] {strides = array<i32>} : memref<128x128xf32, #tpu.memory_space<vmem>>, vector<16xf32>,
        %get3A_196 = arith.index_cast %add3A_162 : i32 to index
        %get3A_197 = arith.constant 64 : index
        %get3A_198 = tpu.vector_load %arg12[%get3A_196, %get3A_197] {strides = array<i32>} : memref<128x128xf32, #tpu.memory_space<vmem>>, vector<16xf32>,
        %mul3A_199 = arith.mulf %get3A_195, %get3A_198 : vector<16xf32>
        %add3A_200 = arith.addf %add3A_192, %mul3A_199 : vector<16xf32>
        %get3A_201 = arith.index_cast %add3A_162 : i32 to index
        %get3A_202 = arith.constant 80 : index
        %get3A_203 = tpu.vector_load %arg11[%get3A_201, %get3A_202] {strides = array<i32>} : memref<128x128xf32, #tpu.memory_space<vmem>>, vector<16xf32>,
        %get3A_204 = arith.index_cast %add3A_162 : i32 to index
        %get3A_205 = arith.constant 80 : index
        %get3A_206 = tpu.vector_load %arg12[%get3A_204, %get3A_205] {strides = array<i32>} : memref<128x128xf32, #tpu.memory_space<vmem>>, vector<16xf32>,
        %mul3A_207 = arith.mulf %get3A_203, %get3A_206 : vector<16xf32>
        %add3A_208 = arith.addf %add3A_200, %mul3A_207 : vector<16xf32>
        %get3A_209 = arith.index_cast %add3A_162 : i32 to index
        %get3A_210 = arith.constant 96 : index
        %get3A_211 = tpu.vector_load %arg11[%get3A_209, %get3A_210] {strides = array<i32>} : memref<128x128xf32, #tpu.memory_space<vmem>>, vector<16xf32>,
        %get3A_212 = arith.index_cast %add3A_162 : i32 to index
        %get3A_213 = arith.constant 96 : index
        %get3A_214 = tpu.vector_load %arg12[%get3A_212, %get3A_213] {strides = array<i32>} : memref<128x128xf32, #tpu.memory_space<vmem>>, vector<16xf32>,
        %mul3A_215 = arith.mulf %get3A_211, %get3A_214 : vector<16xf32>
        %add3A_216 = arith.addf %add3A_208, %mul3A_215 : vector<16xf32>
        %get3A_217 = arith.index_cast %add3A_162 : i32 to index
        %get3A_218 = arith.constant 112 : index
        %get3A_219 = tpu.vector_load %arg11[%get3A_217, %get3A_218] {strides = array<i32>} : memref<128x128xf32, #tpu.memory_space<vmem>>, vector<16xf32>,
        %get3A_220 = arith.index_cast %add3A_162 : i32 to index
        %get3A_221 = arith.constant 112 : index
        %get3A_222 = tpu.vector_load %arg12[%get3A_220, %get3A_221] {strides = array<i32>} : memref<128x128xf32, #tpu.memory_space<vmem>>, vector<16xf32>,
        %mul3A_223 = arith.mulf %get3A_219, %get3A_222 : vector<16xf32>
        %add3A_224 = arith.addf %add3A_216, %mul3A_223 : vector<16xf32>
        %reduce_sum3A = arith.constant true
        %reduce_sum3A_225 = vector.broadcast %reduce_sum3A : i1 to vector<16xi1>
        %reduce_sum3A_226 = tpu.scan <sum>, %add3A_224 masked %reduce_sum3A_225 : vector<16xf32>, vector<16xi1> -> vector<16xf32>
        %reduce_sum3A_227 = vector.extract %reduce_sum3A_226[15] : f32 from vector<16xf32>
        %broadcast_in_dim3A = vector.broadcast %reduce_sum3A_227 : f32 to vector<16xf32>
        %broadcast_in_dim3A_228 = vector.broadcast %add3A_162 : i32 to vector<16xi32>
        tpu.vector_store_idx %arg14[%broadcast_in_dim3A_228], %broadcast_in_dim3A masked %eq3A_2 : memref<128xf32, #tpu.memory_space<vmem>>[vector<16xi32>], vector<16xf32>, vector<16xi1>
      }
      %while3A_156 = arith.constant 1 : i32
      scf.for %while3A_160 = %while3A_154 to %while3A_150 step %while3A_156  : i32 {
        %mul3A_161 = arith.muli %while3A_160, %while3A_146 : i32
        %add3A_162 = arith.addi %while3A_147, %mul3A_161 : i32
        %get3A = arith.index_cast %add3A_162 : i32 to index
        %get3A_163 = arith.constant 0 : index
        %get3A_164 = tpu.vector_load %arg11[%get3A, %get3A_163] {strides = array<i32>} : memref<128x128xf32, #tpu.memory_space<vmem>>, vector<16xf32>,
        %get3A_165 = arith.index_cast %add3A_162 : i32 to index
        %get3A_166 = arith.constant 0 : index
        %get3A_167 = tpu.vector_load %arg12[%get3A_165, %get3A_166] {strides = array<i32>} : memref<128x128xf32, #tpu.memory_space<vmem>>, vector<16xf32>,
        %mul3A_168 = arith.mulf %get3A_164, %get3A_167 : vector<16xf32>
        %get3A_169 = arith.index_cast %add3A_162 : i32 to index
        %get3A_170 = arith.constant 16 : index
        %get3A_171 = tpu.vector_load %arg11[%get3A_169, %get3A_170] {strides = array<i32>} : memref<128x128xf32, #tpu.memory_space<vmem>>, vector<16xf32>,
        %get3A_172 = arith.index_cast %add3A_162 : i32 to index
        %get3A_173 = arith.constant 16 : index
        %get3A_174 = tpu.vector_load %arg12[%get3A_172, %get3A_173] {strides = array<i32>} : memref<128x128xf32, #tpu.memory_space<vmem>>, vector<16xf32>,
        %mul3A_175 = arith.mulf %get3A_171, %get3A_174 : vector<16xf32>
        %add3A_176 = arith.addf %mul3A_168, %mul3A_175 : vector<16xf32>
        %get3A_177 = arith.index_cast %add3A_162 : i32 to index
        %get3A_178 = arith.constant 32 : index
        %get3A_179 = tpu.vector_load %arg11[%get3A_177, %get3A_178] {strides = array<i32>} : memref<128x128xf32, #tpu.memory_space<vmem>>, vector<16xf32>,
        %get3A_180 = arith.index_cast %add3A_162 : i32 to index
        %get3A_181 = arith.constant 32 : index
        %get3A_182 = tpu.vector_load %arg12[%get3A_180, %get3A_181] {strides = array<i32>} : memref<128x128xf32, #tpu.memory_space<vmem>>, vector<16xf32>,
        %mul3A_183 = arith.mulf %get3A_179, %get3A_182 : vector<16xf32>
        %add3A_184 = arith.addf %add3A_176, %mul3A_183 : vector<16xf32>
        %get3A_185 = arith.index_cast %add3A_162 : i32 to index
        %get3A_186 = arith.constant 48 : index
        %get3A_187 = tpu.vector_load %arg11[%get3A_185, %get3A_186] {strides = array<i32>} : memref<128x128xf32, #tpu.memory_space<vmem>>, vector<16xf32>,
        %get3A_188 = arith.index_cast %add3A_162 : i32 to index
        %get3A_189 = arith.constant 48 : index
        %get3A_190 = tpu.vector_load %arg12[%get3A_188, %get3A_189] {strides = array<i32>} : memref<128x128xf32, #tpu.memory_space<vmem>>, vector<16xf32>,
        %mul3A_191 = arith.mulf %get3A_187, %get3A_190 : vector<16xf32>
        %add3A_192 = arith.addf %add3A_184, %mul3A_191 : vector<16xf32>
        %get3A_193 = arith.index_cast %add3A_162 : i32 to index
        %get3A_194 = arith.constant 64 : index
        %get3A_195 = tpu.vector_load %arg11[%get3A_193, %get3A_194] {strides = array<i32>} : memref<128x128xf32, #tpu.memory_space<vmem>>, vector<16xf32>,
        %get3A_196 = arith.index_cast %add3A_162 : i32 to index
        %get3A_197 = arith.constant 64 : index
        %get3A_198 = tpu.vector_load %arg12[%get3A_196, %get3A_197] {strides = array<i32>} : memref<128x128xf32, #tpu.memory_space<vmem>>, vector<16xf32>,
        %mul3A_199 = arith.mulf %get3A_195, %get3A_198 : vector<16xf32>
        %add3A_200 = arith.addf %add3A_192, %mul3A_199 : vector<16xf32>
        %get3A_201 = arith.index_cast %add3A_162 : i32 to index
        %get3A_202 = arith.constant 80 : index
        %get3A_203 = tpu.vector_load %arg11[%get3A_201, %get3A_202] {strides = array<i32>} : memref<128x128xf32, #tpu.memory_space<vmem>>, vector<16xf32>,
        %get3A_204 = arith.index_cast %add3A_162 : i32 to index
        %get3A_205 = arith.constant 80 : index
        %get3A_206 = tpu.vector_load %arg12[%get3A_204, %get3A_205] {strides = array<i32>} : memref<128x128xf32, #tpu.memory_space<vmem>>, vector<16xf32>,
        %mul3A_207 = arith.mulf %get3A_203, %get3A_206 : vector<16xf32>
        %add3A_208 = arith.addf %add3A_200, %mul3A_207 : vector<16xf32>
        %get3A_209 = arith.index_cast %add3A_162 : i32 to index
        %get3A_210 = arith.constant 96 : index
        %get3A_211 = tpu.vector_load %arg11[%get3A_209, %get3A_210] {strides = array<i32>} : memref<128x128xf32, #tpu.memory_space<vmem>>, vector<16xf32>,
        %get3A_212 = arith.index_cast %add3A_162 : i32 to index
        %get3A_213 = arith.constant 96 : index
        %get3A_214 = tpu.vector_load %arg12[%get3A_212, %get3A_213] {strides = array<i32>} : memref<128x128xf32, #tpu.memory_space<vmem>>, vector<16xf32>,
        %mul3A_215 = arith.mulf %get3A_211, %get3A_214 : vector<16xf32>
        %add3A_216 = arith.addf %add3A_208, %mul3A_215 : vector<16xf32>
        %get3A_217 = arith.index_cast %add3A_162 : i32 to index
        %get3A_218 = arith.constant 112 : index
        %get3A_219 = tpu.vector_load %arg11[%get3A_217, %get3A_218] {strides = array<i32>} : memref<128x128xf32, #tpu.memory_space<vmem>>, vector<16xf32>,
        %get3A_220 = arith.index_cast %add3A_162 : i32 to index
        %get3A_221 = arith.constant 112 : index
        %get3A_222 = tpu.vector_load %arg12[%get3A_220, %get3A_221] {strides = array<i32>} : memref<128x128xf32, #tpu.memory_space<vmem>>, vector<16xf32>,
        %mul3A_223 = arith.mulf %get3A_219, %get3A_222 : vector<16xf32>
        %add3A_224 = arith.addf %add3A_216, %mul3A_223 : vector<16xf32>
        %reduce_sum3A = arith.constant true
        %reduce_sum3A_225 = vector.broadcast %reduce_sum3A : i1 to vector<16xi1>
        %reduce_sum3A_226 = tpu.scan <sum>, %add3A_224 masked %reduce_sum3A_225 : vector<16xf32>, vector<16xi1> -> vector<16xf32>
        %reduce_sum3A_227 = vector.extract %reduce_sum3A_226[15] : f32 from vector<16xf32>
        %broadcast_in_dim3A = vector.broadcast %reduce_sum3A_227 : f32 to vector<16xf32>
        %broadcast_in_dim3A_228 = vector.broadcast %add3A_162 : i32 to vector<16xi32>
        tpu.vector_store_idx %arg14[%broadcast_in_dim3A_228], %broadcast_in_dim3A masked %eq3A_2 : memref<128xf32, #tpu.memory_space<vmem>>[vector<16xi32>], vector<16xf32>, vector<16xi1>
      }
      %mul3A_157 = arith.constant 128 : i32
      %mul3A_158 = arith.muli %add3A_71, %mul3A_157 : i32
      %add3A_159 = arith.addi %mul3A_4, %mul3A_158 : i32
      "tpu.region"() ({
        %run_scoped3A = tpu.sem_alloc : memref<!tpu.dma_semaphore, #tpu.memory_space<semaphore_mem>>
        %dma_start3A_160 = tpu.memref_slice %arg6[%add3A_159] : memref<200704xf32, #tpu.memory_space<hbm>> -> memref<128xf32, #tpu.memory_space<hbm>>
        %dma_start3A_161 = tpu.memref_slice %arg6[%add3A_159] : memref<200704xf32, #tpu.memory_space<hbm>> -> memref<128xf32, #tpu.memory_space<hbm>>
        tpu.enqueue_dma source(%arg14 : memref<128xf32, #tpu.memory_space<vmem>>) target(%dma_start3A_161 : memref<128xf32, #tpu.memory_space<hbm>>) target_semaphore(%run_scoped3A : memref<!tpu.dma_semaphore, #tpu.memory_space<semaphore_mem>>)
        %dma_wait3A_162 = tpu.memref_slice %arg6[%add3A_159] : memref<200704xf32, #tpu.memory_space<hbm>> -> memref<128xf32, #tpu.memory_space<hbm>>
        %dma_wait3A_163 = tpu.memref_slice %arg6[%add3A_159] : memref<200704xf32, #tpu.memory_space<hbm>> -> memref<128xf32, #tpu.memory_space<hbm>>
        tpu.wait_dma2 semaphore(%run_scoped3A : memref<!tpu.dma_semaphore, #tpu.memory_space<semaphore_mem>>) src(%arg14 : memref<128xf32, #tpu.memory_space<vmem>>) dst(%dma_wait3A_163 : memref<128xf32, #tpu.memory_space<hbm>>)
        tpu.yield
      }) : () -> ()
    }
    %while3A_31 = arith.constant 1 : i32
    scf.for %while3A_65 = %while3A_29 to %while3A_25 step %while3A_31  : i32 {
      %mul3A_66 = arith.muli %while3A_65, %while3A : i32
      %add3A_67 = arith.addi %while3A_22, %mul3A_66 : i32
      %mul3A_68 = arith.constant 2 : i32
      %mul3A_69 = arith.muli %add3A_67, %mul3A_68 : i32
      %add3A_70 = arith.constant 1 : i32
      %add3A_71 = arith.addi %mul3A_69, %add3A_70 : i32
      %mul3A_72 = arith.constant 128 : i32
      %mul3A_73 = arith.muli %add3A_71, %mul3A_72 : i32
      %dma_start3A_74 = tpu.memref_slice %arg7[%mul3A_73] : memref<6272xi32, #tpu.memory_space<vmem>> -> memref<128xi32, #tpu.memory_space<vmem>>
      %dma_start3A_75 = arith.constant 0 : i32
      %dma_start3A_76 = arith.constant 0 : i32
      %dma_start3A_77 = tpu.memref_slice %arg2[%dma_start3A_75, %dma_start3A_76] : memref<100000x128xf32, #tpu.memory_space<hbm>> -> memref<100000x128xf32, #tpu.memory_space<hbm>>
      tpu.enqueue_indirect_dma source(%dma_start3A_77 : memref<100000x128xf32, #tpu.memory_space<hbm>>) target(%arg11 : memref<128x128xf32, #tpu.memory_space<vmem>>) offsets(%dma_start3A_74 : memref<128xi32, #tpu.memory_space<vmem>>) semaphore(%arg16 : memref<!tpu.dma_semaphore, #tpu.memory_space<semaphore_mem>>)
      %dma_start3A_78 = tpu.memref_slice %arg8[%mul3A_73] : memref<6272xi32, #tpu.memory_space<vmem>> -> memref<128xi32, #tpu.memory_space<vmem>>
      %dma_start3A_79 = arith.constant 0 : i32
      %dma_start3A_80 = arith.constant 0 : i32
      %dma_start3A_81 = tpu.memref_slice %arg3[%dma_start3A_79, %dma_start3A_80] : memref<100000x128xf32, #tpu.memory_space<hbm>> -> memref<100000x128xf32, #tpu.memory_space<hbm>>
      tpu.enqueue_indirect_dma source(%dma_start3A_81 : memref<100000x128xf32, #tpu.memory_space<hbm>>) target(%arg12 : memref<128x128xf32, #tpu.memory_space<vmem>>) offsets(%dma_start3A_78 : memref<128xi32, #tpu.memory_space<vmem>>) semaphore(%arg16 : memref<!tpu.dma_semaphore, #tpu.memory_space<semaphore_mem>>)
      %dma_wait3A_82 = arith.constant 0 : i32
      %dma_wait3A_83 = tpu.memref_slice %arg7[%dma_wait3A_82] : memref<6272xi32, #tpu.memory_space<vmem>> -> memref<128xi32, #tpu.memory_space<vmem>>
      %dma_wait3A_84 = arith.constant 0 : i32
      %dma_wait3A_85 = arith.constant 0 : i32
      %dma_wait3A_86 = tpu.memref_slice %arg2[%dma_wait3A_84, %dma_wait3A_85] : memref<100000x128xf32, #tpu.memory_space<hbm>> -> memref<100000x128xf32, #tpu.memory_space<hbm>>
      tpu.wait_indirect_dma semaphore(%arg15 : memref<!tpu.dma_semaphore, #tpu.memory_space<semaphore_mem>>) src(%dma_wait3A_86 : memref<100000x128xf32, #tpu.memory_space<hbm>>) dst(%arg9 : memref<128x128xf32, #tpu.memory_space<vmem>>)
      %dma_wait3A_87 = arith.constant 0 : i32
      %dma_wait3A_88 = tpu.memref_slice %arg8[%dma_wait3A_87] : memref<6272xi32, #tpu.memory_space<vmem>> -> memref<128xi32, #tpu.memory_space<vmem>>
      %dma_wait3A_89 = arith.constant 0 : i32
      %dma_wait3A_90 = arith.constant 0 : i32
      %dma_wait3A_91 = tpu.memref_slice %arg3[%dma_wait3A_89, %dma_wait3A_90] : memref<100000x128xf32, #tpu.memory_space<hbm>> -> memref<100000x128xf32, #tpu.memory_space<hbm>>
      tpu.wait_indirect_dma semaphore(%arg15 : memref<!tpu.dma_semaphore, #tpu.memory_space<semaphore_mem>>) src(%dma_wait3A_91 : memref<100000x128xf32, #tpu.memory_space<hbm>>) dst(%arg10 : memref<128x128xf32, #tpu.memory_space<vmem>>)
      %sub3A_92 = arith.constant 128 : i32
      %sub3A_93 = arith.constant 0 : i32
      %sub3A_94 = arith.subi %sub3A_92, %sub3A_93 : i32
      %sub3A_95 = arith.constant 1 : i32
      %sub3A_96 = arith.constant 1 : i32
      %sub3A_97 = arith.subi %sub3A_95, %sub3A_96 : i32
      %add3A_98 = arith.addi %sub3A_94, %sub3A_97 : i32
      %div3A_99 = arith.constant 1 : i32
      %div3A_100 = arith.divsi %add3A_98, %div3A_99 : i32
      %while3A_101 = arith.constant 1 : i32
      %while3A_102 = arith.constant 0 : i32
      %while3A_103 = arith.constant 0 : i32
      %while3A_104 = arith.subi %div3A_100, %while3A_103 : i32
      %while3A_105 = arith.addi %while3A_103, %while3A_104 : i32
      %while3A_106 = arith.constant 1 : i32
      %while3A_107 = arith.divsi %while3A_104, %while3A_106 : i32
      %while3A_108 = arith.muli %while3A_107, %while3A_106 : i32
      %while3A_109 = arith.addi %while3A_103, %while3A_108 : i32
      %while3A_110 = arith.constant 1 : i32
      scf.for %while3A_160 = %while3A_103 to %while3A_109 step %while3A_110  : i32 {
        %mul3A_161 = arith.muli %while3A_160, %while3A_101 : i32
        %add3A_162 = arith.addi %while3A_102, %mul3A_161 : i32
        %get3A = arith.index_cast %add3A_162 : i32 to index
        %get3A_163 = arith.constant 0 : index
        %get3A_164 = tpu.vector_load %arg9[%get3A, %get3A_163] {strides = array<i32>} : memref<128x128xf32, #tpu.memory_space<vmem>>, vector<16xf32>,
        %get3A_165 = arith.index_cast %add3A_162 : i32 to index
        %get3A_166 = arith.constant 0 : index
        %get3A_167 = tpu.vector_load %arg10[%get3A_165, %get3A_166] {strides = array<i32>} : memref<128x128xf32, #tpu.memory_space<vmem>>, vector<16xf32>,
        %mul3A_168 = arith.mulf %get3A_164, %get3A_167 : vector<16xf32>
        %get3A_169 = arith.index_cast %add3A_162 : i32 to index
        %get3A_170 = arith.constant 16 : index
        %get3A_171 = tpu.vector_load %arg9[%get3A_169, %get3A_170] {strides = array<i32>} : memref<128x128xf32, #tpu.memory_space<vmem>>, vector<16xf32>,
        %get3A_172 = arith.index_cast %add3A_162 : i32 to index
        %get3A_173 = arith.constant 16 : index
        %get3A_174 = tpu.vector_load %arg10[%get3A_172, %get3A_173] {strides = array<i32>} : memref<128x128xf32, #tpu.memory_space<vmem>>, vector<16xf32>,
        %mul3A_175 = arith.mulf %get3A_171, %get3A_174 : vector<16xf32>
        %add3A_176 = arith.addf %mul3A_168, %mul3A_175 : vector<16xf32>
        %get3A_177 = arith.index_cast %add3A_162 : i32 to index
        %get3A_178 = arith.constant 32 : index
        %get3A_179 = tpu.vector_load %arg9[%get3A_177, %get3A_178] {strides = array<i32>} : memref<128x128xf32, #tpu.memory_space<vmem>>, vector<16xf32>,
        %get3A_180 = arith.index_cast %add3A_162 : i32 to index
        %get3A_181 = arith.constant 32 : index
        %get3A_182 = tpu.vector_load %arg10[%get3A_180, %get3A_181] {strides = array<i32>} : memref<128x128xf32, #tpu.memory_space<vmem>>, vector<16xf32>,
        %mul3A_183 = arith.mulf %get3A_179, %get3A_182 : vector<16xf32>
        %add3A_184 = arith.addf %add3A_176, %mul3A_183 : vector<16xf32>
        %get3A_185 = arith.index_cast %add3A_162 : i32 to index
        %get3A_186 = arith.constant 48 : index
        %get3A_187 = tpu.vector_load %arg9[%get3A_185, %get3A_186] {strides = array<i32>} : memref<128x128xf32, #tpu.memory_space<vmem>>, vector<16xf32>,
        %get3A_188 = arith.index_cast %add3A_162 : i32 to index
        %get3A_189 = arith.constant 48 : index
        %get3A_190 = tpu.vector_load %arg10[%get3A_188, %get3A_189] {strides = array<i32>} : memref<128x128xf32, #tpu.memory_space<vmem>>, vector<16xf32>,
        %mul3A_191 = arith.mulf %get3A_187, %get3A_190 : vector<16xf32>
        %add3A_192 = arith.addf %add3A_184, %mul3A_191 : vector<16xf32>
        %get3A_193 = arith.index_cast %add3A_162 : i32 to index
        %get3A_194 = arith.constant 64 : index
        %get3A_195 = tpu.vector_load %arg9[%get3A_193, %get3A_194] {strides = array<i32>} : memref<128x128xf32, #tpu.memory_space<vmem>>, vector<16xf32>,
        %get3A_196 = arith.index_cast %add3A_162 : i32 to index
        %get3A_197 = arith.constant 64 : index
        %get3A_198 = tpu.vector_load %arg10[%get3A_196, %get3A_197] {strides = array<i32>} : memref<128x128xf32, #tpu.memory_space<vmem>>, vector<16xf32>,
        %mul3A_199 = arith.mulf %get3A_195, %get3A_198 : vector<16xf32>
        %add3A_200 = arith.addf %add3A_192, %mul3A_199 : vector<16xf32>
        %get3A_201 = arith.index_cast %add3A_162 : i32 to index
        %get3A_202 = arith.constant 80 : index
        %get3A_203 = tpu.vector_load %arg9[%get3A_201, %get3A_202] {strides = array<i32>} : memref<128x128xf32, #tpu.memory_space<vmem>>, vector<16xf32>,
        %get3A_204 = arith.index_cast %add3A_162 : i32 to index
        %get3A_205 = arith.constant 80 : index
        %get3A_206 = tpu.vector_load %arg10[%get3A_204, %get3A_205] {strides = array<i32>} : memref<128x128xf32, #tpu.memory_space<vmem>>, vector<16xf32>,
        %mul3A_207 = arith.mulf %get3A_203, %get3A_206 : vector<16xf32>
        %add3A_208 = arith.addf %add3A_200, %mul3A_207 : vector<16xf32>
        %get3A_209 = arith.index_cast %add3A_162 : i32 to index
        %get3A_210 = arith.constant 96 : index
        %get3A_211 = tpu.vector_load %arg9[%get3A_209, %get3A_210] {strides = array<i32>} : memref<128x128xf32, #tpu.memory_space<vmem>>, vector<16xf32>,
        %get3A_212 = arith.index_cast %add3A_162 : i32 to index
        %get3A_213 = arith.constant 96 : index
        %get3A_214 = tpu.vector_load %arg10[%get3A_212, %get3A_213] {strides = array<i32>} : memref<128x128xf32, #tpu.memory_space<vmem>>, vector<16xf32>,
        %mul3A_215 = arith.mulf %get3A_211, %get3A_214 : vector<16xf32>
        %add3A_216 = arith.addf %add3A_208, %mul3A_215 : vector<16xf32>
        %get3A_217 = arith.index_cast %add3A_162 : i32 to index
        %get3A_218 = arith.constant 112 : index
        %get3A_219 = tpu.vector_load %arg9[%get3A_217, %get3A_218] {strides = array<i32>} : memref<128x128xf32, #tpu.memory_space<vmem>>, vector<16xf32>,
        %get3A_220 = arith.index_cast %add3A_162 : i32 to index
        %get3A_221 = arith.constant 112 : index
        %get3A_222 = tpu.vector_load %arg10[%get3A_220, %get3A_221] {strides = array<i32>} : memref<128x128xf32, #tpu.memory_space<vmem>>, vector<16xf32>,
        %mul3A_223 = arith.mulf %get3A_219, %get3A_222 : vector<16xf32>
        %add3A_224 = arith.addf %add3A_216, %mul3A_223 : vector<16xf32>
        %reduce_sum3A = arith.constant true
        %reduce_sum3A_225 = vector.broadcast %reduce_sum3A : i1 to vector<16xi1>
        %reduce_sum3A_226 = tpu.scan <sum>, %add3A_224 masked %reduce_sum3A_225 : vector<16xf32>, vector<16xi1> -> vector<16xf32>
        %reduce_sum3A_227 = vector.extract %reduce_sum3A_226[15] : f32 from vector<16xf32>
        %broadcast_in_dim3A = vector.broadcast %reduce_sum3A_227 : f32 to vector<16xf32>
        %broadcast_in_dim3A_228 = vector.broadcast %add3A_162 : i32 to vector<16xi32>
        tpu.vector_store_idx %arg13[%broadcast_in_dim3A_228], %broadcast_in_dim3A masked %eq3A_2 : memref<128xf32, #tpu.memory_space<vmem>>[vector<16xi32>], vector<16xf32>, vector<16xi1>
      }
      %while3A_111 = arith.constant 1 : i32
      scf.for %while3A_160 = %while3A_109 to %while3A_105 step %while3A_111  : i32 {
        %mul3A_161 = arith.muli %while3A_160, %while3A_101 : i32
        %add3A_162 = arith.addi %while3A_102, %mul3A_161 : i32
        %get3A = arith.index_cast %add3A_162 : i32 to index
        %get3A_163 = arith.constant 0 : index
        %get3A_164 = tpu.vector_load %arg9[%get3A, %get3A_163] {strides = array<i32>} : memref<128x128xf32, #tpu.memory_space<vmem>>, vector<16xf32>,
        %get3A_165 = arith.index_cast %add3A_162 : i32 to index
        %get3A_166 = arith.constant 0 : index
        %get3A_167 = tpu.vector_load %arg10[%get3A_165, %get3A_166] {strides = array<i32>} : memref<128x128xf32, #tpu.memory_space<vmem>>, vector<16xf32>,
        %mul3A_168 = arith.mulf %get3A_164, %get3A_167 : vector<16xf32>
        %get3A_169 = arith.index_cast %add3A_162 : i32 to index
        %get3A_170 = arith.constant 16 : index
        %get3A_171 = tpu.vector_load %arg9[%get3A_169, %get3A_170] {strides = array<i32>} : memref<128x128xf32, #tpu.memory_space<vmem>>, vector<16xf32>,
        %get3A_172 = arith.index_cast %add3A_162 : i32 to index
        %get3A_173 = arith.constant 16 : index
        %get3A_174 = tpu.vector_load %arg10[%get3A_172, %get3A_173] {strides = array<i32>} : memref<128x128xf32, #tpu.memory_space<vmem>>, vector<16xf32>,
        %mul3A_175 = arith.mulf %get3A_171, %get3A_174 : vector<16xf32>
        %add3A_176 = arith.addf %mul3A_168, %mul3A_175 : vector<16xf32>
        %get3A_177 = arith.index_cast %add3A_162 : i32 to index
        %get3A_178 = arith.constant 32 : index
        %get3A_179 = tpu.vector_load %arg9[%get3A_177, %get3A_178] {strides = array<i32>} : memref<128x128xf32, #tpu.memory_space<vmem>>, vector<16xf32>,
        %get3A_180 = arith.index_cast %add3A_162 : i32 to index
        %get3A_181 = arith.constant 32 : index
        %get3A_182 = tpu.vector_load %arg10[%get3A_180, %get3A_181] {strides = array<i32>} : memref<128x128xf32, #tpu.memory_space<vmem>>, vector<16xf32>,
        %mul3A_183 = arith.mulf %get3A_179, %get3A_182 : vector<16xf32>
        %add3A_184 = arith.addf %add3A_176, %mul3A_183 : vector<16xf32>
        %get3A_185 = arith.index_cast %add3A_162 : i32 to index
        %get3A_186 = arith.constant 48 : index
        %get3A_187 = tpu.vector_load %arg9[%get3A_185, %get3A_186] {strides = array<i32>} : memref<128x128xf32, #tpu.memory_space<vmem>>, vector<16xf32>,
        %get3A_188 = arith.index_cast %add3A_162 : i32 to index
        %get3A_189 = arith.constant 48 : index
        %get3A_190 = tpu.vector_load %arg10[%get3A_188, %get3A_189] {strides = array<i32>} : memref<128x128xf32, #tpu.memory_space<vmem>>, vector<16xf32>,
        %mul3A_191 = arith.mulf %get3A_187, %get3A_190 : vector<16xf32>
        %add3A_192 = arith.addf %add3A_184, %mul3A_191 : vector<16xf32>
        %get3A_193 = arith.index_cast %add3A_162 : i32 to index
        %get3A_194 = arith.constant 64 : index
        %get3A_195 = tpu.vector_load %arg9[%get3A_193, %get3A_194] {strides = array<i32>} : memref<128x128xf32, #tpu.memory_space<vmem>>, vector<16xf32>,
        %get3A_196 = arith.index_cast %add3A_162 : i32 to index
        %get3A_197 = arith.constant 64 : index
        %get3A_198 = tpu.vector_load %arg10[%get3A_196, %get3A_197] {strides = array<i32>} : memref<128x128xf32, #tpu.memory_space<vmem>>, vector<16xf32>,
        %mul3A_199 = arith.mulf %get3A_195, %get3A_198 : vector<16xf32>
        %add3A_200 = arith.addf %add3A_192, %mul3A_199 : vector<16xf32>
        %get3A_201 = arith.index_cast %add3A_162 : i32 to index
        %get3A_202 = arith.constant 80 : index
        %get3A_203 = tpu.vector_load %arg9[%get3A_201, %get3A_202] {strides = array<i32>} : memref<128x128xf32, #tpu.memory_space<vmem>>, vector<16xf32>,
        %get3A_204 = arith.index_cast %add3A_162 : i32 to index
        %get3A_205 = arith.constant 80 : index
        %get3A_206 = tpu.vector_load %arg10[%get3A_204, %get3A_205] {strides = array<i32>} : memref<128x128xf32, #tpu.memory_space<vmem>>, vector<16xf32>,
        %mul3A_207 = arith.mulf %get3A_203, %get3A_206 : vector<16xf32>
        %add3A_208 = arith.addf %add3A_200, %mul3A_207 : vector<16xf32>
        %get3A_209 = arith.index_cast %add3A_162 : i32 to index
        %get3A_210 = arith.constant 96 : index
        %get3A_211 = tpu.vector_load %arg9[%get3A_209, %get3A_210] {strides = array<i32>} : memref<128x128xf32, #tpu.memory_space<vmem>>, vector<16xf32>,
        %get3A_212 = arith.index_cast %add3A_162 : i32 to index
        %get3A_213 = arith.constant 96 : index
        %get3A_214 = tpu.vector_load %arg10[%get3A_212, %get3A_213] {strides = array<i32>} : memref<128x128xf32, #tpu.memory_space<vmem>>, vector<16xf32>,
        %mul3A_215 = arith.mulf %get3A_211, %get3A_214 : vector<16xf32>
        %add3A_216 = arith.addf %add3A_208, %mul3A_215 : vector<16xf32>
        %get3A_217 = arith.index_cast %add3A_162 : i32 to index
        %get3A_218 = arith.constant 112 : index
        %get3A_219 = tpu.vector_load %arg9[%get3A_217, %get3A_218] {strides = array<i32>} : memref<128x128xf32, #tpu.memory_space<vmem>>, vector<16xf32>,
        %get3A_220 = arith.index_cast %add3A_162 : i32 to index
        %get3A_221 = arith.constant 112 : index
        %get3A_222 = tpu.vector_load %arg10[%get3A_220, %get3A_221] {strides = array<i32>} : memref<128x128xf32, #tpu.memory_space<vmem>>, vector<16xf32>,
        %mul3A_223 = arith.mulf %get3A_219, %get3A_222 : vector<16xf32>
        %add3A_224 = arith.addf %add3A_216, %mul3A_223 : vector<16xf32>
        %reduce_sum3A = arith.constant true
        %reduce_sum3A_225 = vector.broadcast %reduce_sum3A : i1 to vector<16xi1>
        %reduce_sum3A_226 = tpu.scan <sum>, %add3A_224 masked %reduce_sum3A_225 : vector<16xf32>, vector<16xi1> -> vector<16xf32>
        %reduce_sum3A_227 = vector.extract %reduce_sum3A_226[15] : f32 from vector<16xf32>
        %broadcast_in_dim3A = vector.broadcast %reduce_sum3A_227 : f32 to vector<16xf32>
        %broadcast_in_dim3A_228 = vector.broadcast %add3A_162 : i32 to vector<16xi32>
        tpu.vector_store_idx %arg13[%broadcast_in_dim3A_228], %broadcast_in_dim3A masked %eq3A_2 : memref<128xf32, #tpu.memory_space<vmem>>[vector<16xi32>], vector<16xf32>, vector<16xi1>
      }
      %mul3A_112 = arith.constant 128 : i32
      %mul3A_113 = arith.muli %mul3A_69, %mul3A_112 : i32
      %add3A_114 = arith.addi %mul3A_4, %mul3A_113 : i32
      "tpu.region"() ({
        %run_scoped3A = tpu.sem_alloc : memref<!tpu.dma_semaphore, #tpu.memory_space<semaphore_mem>>
        %dma_start3A_160 = tpu.memref_slice %arg6[%add3A_114] : memref<200704xf32, #tpu.memory_space<hbm>> -> memref<128xf32, #tpu.memory_space<hbm>>
        %dma_start3A_161 = tpu.memref_slice %arg6[%add3A_114] : memref<200704xf32, #tpu.memory_space<hbm>> -> memref<128xf32, #tpu.memory_space<hbm>>
        tpu.enqueue_dma source(%arg13 : memref<128xf32, #tpu.memory_space<vmem>>) target(%dma_start3A_161 : memref<128xf32, #tpu.memory_space<hbm>>) target_semaphore(%run_scoped3A : memref<!tpu.dma_semaphore, #tpu.memory_space<semaphore_mem>>)
        %dma_wait3A_162 = tpu.memref_slice %arg6[%add3A_114] : memref<200704xf32, #tpu.memory_space<hbm>> -> memref<128xf32, #tpu.memory_space<hbm>>
        %dma_wait3A_163 = tpu.memref_slice %arg6[%add3A_114] : memref<200704xf32, #tpu.memory_space<hbm>> -> memref<128xf32, #tpu.memory_space<hbm>>
        tpu.wait_dma2 semaphore(%run_scoped3A : memref<!tpu.dma_semaphore, #tpu.memory_space<semaphore_mem>>) src(%arg13 : memref<128xf32, #tpu.memory_space<vmem>>) dst(%dma_wait3A_163 : memref<128xf32, #tpu.memory_space<hbm>>)
        tpu.yield
      }) : () -> ()
      %add3A_115 = arith.constant 2 : i32
      %add3A_116 = arith.addi %mul3A_69, %add3A_115 : i32
      %mul3A_117 = arith.constant 128 : i32
      %mul3A_118 = arith.muli %add3A_116, %mul3A_117 : i32
      %dma_start3A_119 = tpu.memref_slice %arg7[%mul3A_118] : memref<6272xi32, #tpu.memory_space<vmem>> -> memref<128xi32, #tpu.memory_space<vmem>>
      %dma_start3A_120 = arith.constant 0 : i32
      %dma_start3A_121 = arith.constant 0 : i32
      %dma_start3A_122 = tpu.memref_slice %arg2[%dma_start3A_120, %dma_start3A_121] : memref<100000x128xf32, #tpu.memory_space<hbm>> -> memref<100000x128xf32, #tpu.memory_space<hbm>>
      tpu.enqueue_indirect_dma source(%dma_start3A_122 : memref<100000x128xf32, #tpu.memory_space<hbm>>) target(%arg9 : memref<128x128xf32, #tpu.memory_space<vmem>>) offsets(%dma_start3A_119 : memref<128xi32, #tpu.memory_space<vmem>>) semaphore(%arg15 : memref<!tpu.dma_semaphore, #tpu.memory_space<semaphore_mem>>)
      %dma_start3A_123 = tpu.memref_slice %arg8[%mul3A_118] : memref<6272xi32, #tpu.memory_space<vmem>> -> memref<128xi32, #tpu.memory_space<vmem>>
      %dma_start3A_124 = arith.constant 0 : i32
      %dma_start3A_125 = arith.constant 0 : i32
      %dma_start3A_126 = tpu.memref_slice %arg3[%dma_start3A_124, %dma_start3A_125] : memref<100000x128xf32, #tpu.memory_space<hbm>> -> memref<100000x128xf32, #tpu.memory_space<hbm>>
      tpu.enqueue_indirect_dma source(%dma_start3A_126 : memref<100000x128xf32, #tpu.memory_space<hbm>>) target(%arg10 : memref<128x128xf32, #tpu.memory_space<vmem>>) offsets(%dma_start3A_123 : memref<128xi32, #tpu.memory_space<vmem>>) semaphore(%arg15 : memref<!tpu.dma_semaphore, #tpu.memory_space<semaphore_mem>>)
      %dma_wait3A_127 = arith.constant 0 : i32
      %dma_wait3A_128 = tpu.memref_slice %arg7[%dma_wait3A_127] : memref<6272xi32, #tpu.memory_space<vmem>> -> memref<128xi32, #tpu.memory_space<vmem>>
      %dma_wait3A_129 = arith.constant 0 : i32
      %dma_wait3A_130 = arith.constant 0 : i32
      %dma_wait3A_131 = tpu.memref_slice %arg2[%dma_wait3A_129, %dma_wait3A_130] : memref<100000x128xf32, #tpu.memory_space<hbm>> -> memref<100000x128xf32, #tpu.memory_space<hbm>>
      tpu.wait_indirect_dma semaphore(%arg16 : memref<!tpu.dma_semaphore, #tpu.memory_space<semaphore_mem>>) src(%dma_wait3A_131 : memref<100000x128xf32, #tpu.memory_space<hbm>>) dst(%arg11 : memref<128x128xf32, #tpu.memory_space<vmem>>)
      %dma_wait3A_132 = arith.constant 0 : i32
      %dma_wait3A_133 = tpu.memref_slice %arg8[%dma_wait3A_132] : memref<6272xi32, #tpu.memory_space<vmem>> -> memref<128xi32, #tpu.memory_space<vmem>>
      %dma_wait3A_134 = arith.constant 0 : i32
      %dma_wait3A_135 = arith.constant 0 : i32
      %dma_wait3A_136 = tpu.memref_slice %arg3[%dma_wait3A_134, %dma_wait3A_135] : memref<100000x128xf32, #tpu.memory_space<hbm>> -> memref<100000x128xf32, #tpu.memory_space<hbm>>
      tpu.wait_indirect_dma semaphore(%arg16 : memref<!tpu.dma_semaphore, #tpu.memory_space<semaphore_mem>>) src(%dma_wait3A_136 : memref<100000x128xf32, #tpu.memory_space<hbm>>) dst(%arg12 : memref<128x128xf32, #tpu.memory_space<vmem>>)
      %sub3A_137 = arith.constant 128 : i32
      %sub3A_138 = arith.constant 0 : i32
      %sub3A_139 = arith.subi %sub3A_137, %sub3A_138 : i32
      %sub3A_140 = arith.constant 1 : i32
      %sub3A_141 = arith.constant 1 : i32
      %sub3A_142 = arith.subi %sub3A_140, %sub3A_141 : i32
      %add3A_143 = arith.addi %sub3A_139, %sub3A_142 : i32
      %div3A_144 = arith.constant 1 : i32
      %div3A_145 = arith.divsi %add3A_143, %div3A_144 : i32
      %while3A_146 = arith.constant 1 : i32
      %while3A_147 = arith.constant 0 : i32
      %while3A_148 = arith.constant 0 : i32
      %while3A_149 = arith.subi %div3A_145, %while3A_148 : i32
      %while3A_150 = arith.addi %while3A_148, %while3A_149 : i32
      %while3A_151 = arith.constant 1 : i32
      %while3A_152 = arith.divsi %while3A_149, %while3A_151 : i32
      %while3A_153 = arith.muli %while3A_152, %while3A_151 : i32
      %while3A_154 = arith.addi %while3A_148, %while3A_153 : i32
      %while3A_155 = arith.constant 1 : i32
      scf.for %while3A_160 = %while3A_148 to %while3A_154 step %while3A_155  : i32 {
        %mul3A_161 = arith.muli %while3A_160, %while3A_146 : i32
        %add3A_162 = arith.addi %while3A_147, %mul3A_161 : i32
        %get3A = arith.index_cast %add3A_162 : i32 to index
        %get3A_163 = arith.constant 0 : index
        %get3A_164 = tpu.vector_load %arg11[%get3A, %get3A_163] {strides = array<i32>} : memref<128x128xf32, #tpu.memory_space<vmem>>, vector<16xf32>,
        %get3A_165 = arith.index_cast %add3A_162 : i32 to index
        %get3A_166 = arith.constant 0 : index
        %get3A_167 = tpu.vector_load %arg12[%get3A_165, %get3A_166] {strides = array<i32>} : memref<128x128xf32, #tpu.memory_space<vmem>>, vector<16xf32>,
        %mul3A_168 = arith.mulf %get3A_164, %get3A_167 : vector<16xf32>
        %get3A_169 = arith.index_cast %add3A_162 : i32 to index
        %get3A_170 = arith.constant 16 : index
        %get3A_171 = tpu.vector_load %arg11[%get3A_169, %get3A_170] {strides = array<i32>} : memref<128x128xf32, #tpu.memory_space<vmem>>, vector<16xf32>,
        %get3A_172 = arith.index_cast %add3A_162 : i32 to index
        %get3A_173 = arith.constant 16 : index
        %get3A_174 = tpu.vector_load %arg12[%get3A_172, %get3A_173] {strides = array<i32>} : memref<128x128xf32, #tpu.memory_space<vmem>>, vector<16xf32>,
        %mul3A_175 = arith.mulf %get3A_171, %get3A_174 : vector<16xf32>
        %add3A_176 = arith.addf %mul3A_168, %mul3A_175 : vector<16xf32>
        %get3A_177 = arith.index_cast %add3A_162 : i32 to index
        %get3A_178 = arith.constant 32 : index
        %get3A_179 = tpu.vector_load %arg11[%get3A_177, %get3A_178] {strides = array<i32>} : memref<128x128xf32, #tpu.memory_space<vmem>>, vector<16xf32>,
        %get3A_180 = arith.index_cast %add3A_162 : i32 to index
        %get3A_181 = arith.constant 32 : index
        %get3A_182 = tpu.vector_load %arg12[%get3A_180, %get3A_181] {strides = array<i32>} : memref<128x128xf32, #tpu.memory_space<vmem>>, vector<16xf32>,
        %mul3A_183 = arith.mulf %get3A_179, %get3A_182 : vector<16xf32>
        %add3A_184 = arith.addf %add3A_176, %mul3A_183 : vector<16xf32>
        %get3A_185 = arith.index_cast %add3A_162 : i32 to index
        %get3A_186 = arith.constant 48 : index
        %get3A_187 = tpu.vector_load %arg11[%get3A_185, %get3A_186] {strides = array<i32>} : memref<128x128xf32, #tpu.memory_space<vmem>>, vector<16xf32>,
        %get3A_188 = arith.index_cast %add3A_162 : i32 to index
        %get3A_189 = arith.constant 48 : index
        %get3A_190 = tpu.vector_load %arg12[%get3A_188, %get3A_189] {strides = array<i32>} : memref<128x128xf32, #tpu.memory_space<vmem>>, vector<16xf32>,
        %mul3A_191 = arith.mulf %get3A_187, %get3A_190 : vector<16xf32>
        %add3A_192 = arith.addf %add3A_184, %mul3A_191 : vector<16xf32>
        %get3A_193 = arith.index_cast %add3A_162 : i32 to index
        %get3A_194 = arith.constant 64 : index
        %get3A_195 = tpu.vector_load %arg11[%get3A_193, %get3A_194] {strides = array<i32>} : memref<128x128xf32, #tpu.memory_space<vmem>>, vector<16xf32>,
        %get3A_196 = arith.index_cast %add3A_162 : i32 to index
        %get3A_197 = arith.constant 64 : index
        %get3A_198 = tpu.vector_load %arg12[%get3A_196, %get3A_197] {strides = array<i32>} : memref<128x128xf32, #tpu.memory_space<vmem>>, vector<16xf32>,
        %mul3A_199 = arith.mulf %get3A_195, %get3A_198 : vector<16xf32>
        %add3A_200 = arith.addf %add3A_192, %mul3A_199 : vector<16xf32>
        %get3A_201 = arith.index_cast %add3A_162 : i32 to index
        %get3A_202 = arith.constant 80 : index
        %get3A_203 = tpu.vector_load %arg11[%get3A_201, %get3A_202] {strides = array<i32>} : memref<128x128xf32, #tpu.memory_space<vmem>>, vector<16xf32>,
        %get3A_204 = arith.index_cast %add3A_162 : i32 to index
        %get3A_205 = arith.constant 80 : index
        %get3A_206 = tpu.vector_load %arg12[%get3A_204, %get3A_205] {strides = array<i32>} : memref<128x128xf32, #tpu.memory_space<vmem>>, vector<16xf32>,
        %mul3A_207 = arith.mulf %get3A_203, %get3A_206 : vector<16xf32>
        %add3A_208 = arith.addf %add3A_200, %mul3A_207 : vector<16xf32>
        %get3A_209 = arith.index_cast %add3A_162 : i32 to index
        %get3A_210 = arith.constant 96 : index
        %get3A_211 = tpu.vector_load %arg11[%get3A_209, %get3A_210] {strides = array<i32>} : memref<128x128xf32, #tpu.memory_space<vmem>>, vector<16xf32>,
        %get3A_212 = arith.index_cast %add3A_162 : i32 to index
        %get3A_213 = arith.constant 96 : index
        %get3A_214 = tpu.vector_load %arg12[%get3A_212, %get3A_213] {strides = array<i32>} : memref<128x128xf32, #tpu.memory_space<vmem>>, vector<16xf32>,
        %mul3A_215 = arith.mulf %get3A_211, %get3A_214 : vector<16xf32>
        %add3A_216 = arith.addf %add3A_208, %mul3A_215 : vector<16xf32>
        %get3A_217 = arith.index_cast %add3A_162 : i32 to index
        %get3A_218 = arith.constant 112 : index
        %get3A_219 = tpu.vector_load %arg11[%get3A_217, %get3A_218] {strides = array<i32>} : memref<128x128xf32, #tpu.memory_space<vmem>>, vector<16xf32>,
        %get3A_220 = arith.index_cast %add3A_162 : i32 to index
        %get3A_221 = arith.constant 112 : index
        %get3A_222 = tpu.vector_load %arg12[%get3A_220, %get3A_221] {strides = array<i32>} : memref<128x128xf32, #tpu.memory_space<vmem>>, vector<16xf32>,
        %mul3A_223 = arith.mulf %get3A_219, %get3A_222 : vector<16xf32>
        %add3A_224 = arith.addf %add3A_216, %mul3A_223 : vector<16xf32>
        %reduce_sum3A = arith.constant true
        %reduce_sum3A_225 = vector.broadcast %reduce_sum3A : i1 to vector<16xi1>
        %reduce_sum3A_226 = tpu.scan <sum>, %add3A_224 masked %reduce_sum3A_225 : vector<16xf32>, vector<16xi1> -> vector<16xf32>
        %reduce_sum3A_227 = vector.extract %reduce_sum3A_226[15] : f32 from vector<16xf32>
        %broadcast_in_dim3A = vector.broadcast %reduce_sum3A_227 : f32 to vector<16xf32>
        %broadcast_in_dim3A_228 = vector.broadcast %add3A_162 : i32 to vector<16xi32>
        tpu.vector_store_idx %arg14[%broadcast_in_dim3A_228], %broadcast_in_dim3A masked %eq3A_2 : memref<128xf32, #tpu.memory_space<vmem>>[vector<16xi32>], vector<16xf32>, vector<16xi1>
      }
      %while3A_156 = arith.constant 1 : i32
      scf.for %while3A_160 = %while3A_154 to %while3A_150 step %while3A_156  : i32 {
        %mul3A_161 = arith.muli %while3A_160, %while3A_146 : i32
        %add3A_162 = arith.addi %while3A_147, %mul3A_161 : i32
        %get3A = arith.index_cast %add3A_162 : i32 to index
        %get3A_163 = arith.constant 0 : index
        %get3A_164 = tpu.vector_load %arg11[%get3A, %get3A_163] {strides = array<i32>} : memref<128x128xf32, #tpu.memory_space<vmem>>, vector<16xf32>,
        %get3A_165 = arith.index_cast %add3A_162 : i32 to index
        %get3A_166 = arith.constant 0 : index
        %get3A_167 = tpu.vector_load %arg12[%get3A_165, %get3A_166] {strides = array<i32>} : memref<128x128xf32, #tpu.memory_space<vmem>>, vector<16xf32>,
        %mul3A_168 = arith.mulf %get3A_164, %get3A_167 : vector<16xf32>
        %get3A_169 = arith.index_cast %add3A_162 : i32 to index
        %get3A_170 = arith.constant 16 : index
        %get3A_171 = tpu.vector_load %arg11[%get3A_169, %get3A_170] {strides = array<i32>} : memref<128x128xf32, #tpu.memory_space<vmem>>, vector<16xf32>,
        %get3A_172 = arith.index_cast %add3A_162 : i32 to index
        %get3A_173 = arith.constant 16 : index
        %get3A_174 = tpu.vector_load %arg12[%get3A_172, %get3A_173] {strides = array<i32>} : memref<128x128xf32, #tpu.memory_space<vmem>>, vector<16xf32>,
        %mul3A_175 = arith.mulf %get3A_171, %get3A_174 : vector<16xf32>
        %add3A_176 = arith.addf %mul3A_168, %mul3A_175 : vector<16xf32>
        %get3A_177 = arith.index_cast %add3A_162 : i32 to index
        %get3A_178 = arith.constant 32 : index
        %get3A_179 = tpu.vector_load %arg11[%get3A_177, %get3A_178] {strides = array<i32>} : memref<128x128xf32, #tpu.memory_space<vmem>>, vector<16xf32>,
        %get3A_180 = arith.index_cast %add3A_162 : i32 to index
        %get3A_181 = arith.constant 32 : index
        %get3A_182 = tpu.vector_load %arg12[%get3A_180, %get3A_181] {strides = array<i32>} : memref<128x128xf32, #tpu.memory_space<vmem>>, vector<16xf32>,
        %mul3A_183 = arith.mulf %get3A_179, %get3A_182 : vector<16xf32>
        %add3A_184 = arith.addf %add3A_176, %mul3A_183 : vector<16xf32>
        %get3A_185 = arith.index_cast %add3A_162 : i32 to index
        %get3A_186 = arith.constant 48 : index
        %get3A_187 = tpu.vector_load %arg11[%get3A_185, %get3A_186] {strides = array<i32>} : memref<128x128xf32, #tpu.memory_space<vmem>>, vector<16xf32>,
        %get3A_188 = arith.index_cast %add3A_162 : i32 to index
        %get3A_189 = arith.constant 48 : index
        %get3A_190 = tpu.vector_load %arg12[%get3A_188, %get3A_189] {strides = array<i32>} : memref<128x128xf32, #tpu.memory_space<vmem>>, vector<16xf32>,
        %mul3A_191 = arith.mulf %get3A_187, %get3A_190 : vector<16xf32>
        %add3A_192 = arith.addf %add3A_184, %mul3A_191 : vector<16xf32>
        %get3A_193 = arith.index_cast %add3A_162 : i32 to index
        %get3A_194 = arith.constant 64 : index
        %get3A_195 = tpu.vector_load %arg11[%get3A_193, %get3A_194] {strides = array<i32>} : memref<128x128xf32, #tpu.memory_space<vmem>>, vector<16xf32>,
        %get3A_196 = arith.index_cast %add3A_162 : i32 to index
        %get3A_197 = arith.constant 64 : index
        %get3A_198 = tpu.vector_load %arg12[%get3A_196, %get3A_197] {strides = array<i32>} : memref<128x128xf32, #tpu.memory_space<vmem>>, vector<16xf32>,
        %mul3A_199 = arith.mulf %get3A_195, %get3A_198 : vector<16xf32>
        %add3A_200 = arith.addf %add3A_192, %mul3A_199 : vector<16xf32>
        %get3A_201 = arith.index_cast %add3A_162 : i32 to index
        %get3A_202 = arith.constant 80 : index
        %get3A_203 = tpu.vector_load %arg11[%get3A_201, %get3A_202] {strides = array<i32>} : memref<128x128xf32, #tpu.memory_space<vmem>>, vector<16xf32>,
        %get3A_204 = arith.index_cast %add3A_162 : i32 to index
        %get3A_205 = arith.constant 80 : index
        %get3A_206 = tpu.vector_load %arg12[%get3A_204, %get3A_205] {strides = array<i32>} : memref<128x128xf32, #tpu.memory_space<vmem>>, vector<16xf32>,
        %mul3A_207 = arith.mulf %get3A_203, %get3A_206 : vector<16xf32>
        %add3A_208 = arith.addf %add3A_200, %mul3A_207 : vector<16xf32>
        %get3A_209 = arith.index_cast %add3A_162 : i32 to index
        %get3A_210 = arith.constant 96 : index
        %get3A_211 = tpu.vector_load %arg11[%get3A_209, %get3A_210] {strides = array<i32>} : memref<128x128xf32, #tpu.memory_space<vmem>>, vector<16xf32>,
        %get3A_212 = arith.index_cast %add3A_162 : i32 to index
        %get3A_213 = arith.constant 96 : index
        %get3A_214 = tpu.vector_load %arg12[%get3A_212, %get3A_213] {strides = array<i32>} : memref<128x128xf32, #tpu.memory_space<vmem>>, vector<16xf32>,
        %mul3A_215 = arith.mulf %get3A_211, %get3A_214 : vector<16xf32>
        %add3A_216 = arith.addf %add3A_208, %mul3A_215 : vector<16xf32>
        %get3A_217 = arith.index_cast %add3A_162 : i32 to index
        %get3A_218 = arith.constant 112 : index
        %get3A_219 = tpu.vector_load %arg11[%get3A_217, %get3A_218] {strides = array<i32>} : memref<128x128xf32, #tpu.memory_space<vmem>>, vector<16xf32>,
        %get3A_220 = arith.index_cast %add3A_162 : i32 to index
        %get3A_221 = arith.constant 112 : index
        %get3A_222 = tpu.vector_load %arg12[%get3A_220, %get3A_221] {strides = array<i32>} : memref<128x128xf32, #tpu.memory_space<vmem>>, vector<16xf32>,
        %mul3A_223 = arith.mulf %get3A_219, %get3A_222 : vector<16xf32>
        %add3A_224 = arith.addf %add3A_216, %mul3A_223 : vector<16xf32>
        %reduce_sum3A = arith.constant true
        %reduce_sum3A_225 = vector.broadcast %reduce_sum3A : i1 to vector<16xi1>
        %reduce_sum3A_226 = tpu.scan <sum>, %add3A_224 masked %reduce_sum3A_225 : vector<16xf32>, vector<16xi1> -> vector<16xf32>
        %reduce_sum3A_227 = vector.extract %reduce_sum3A_226[15] : f32 from vector<16xf32>
        %broadcast_in_dim3A = vector.broadcast %reduce_sum3A_227 : f32 to vector<16xf32>
        %broadcast_in_dim3A_228 = vector.broadcast %add3A_162 : i32 to vector<16xi32>
        tpu.vector_store_idx %arg14[%broadcast_in_dim3A_228], %broadcast_in_dim3A masked %eq3A_2 : memref<128xf32, #tpu.memory_space<vmem>>[vector<16xi32>], vector<16xf32>, vector<16xi1>
      }
      %mul3A_157 = arith.constant 128 : i32
      %mul3A_158 = arith.muli %add3A_71, %mul3A_157 : i32
      %add3A_159 = arith.addi %mul3A_4, %mul3A_158 : i32
      "tpu.region"() ({
        %run_scoped3A = tpu.sem_alloc : memref<!tpu.dma_semaphore, #tpu.memory_space<semaphore_mem>>
        %dma_start3A_160 = tpu.memref_slice %arg6[%add3A_159] : memref<200704xf32, #tpu.memory_space<hbm>> -> memref<128xf32, #tpu.memory_space<hbm>>
        %dma_start3A_161 = tpu.memref_slice %arg6[%add3A_159] : memref<200704xf32, #tpu.memory_space<hbm>> -> memref<128xf32, #tpu.memory_space<hbm>>
        tpu.enqueue_dma source(%arg14 : memref<128xf32, #tpu.memory_space<vmem>>) target(%dma_start3A_161 : memref<128xf32, #tpu.memory_space<hbm>>) target_semaphore(%run_scoped3A : memref<!tpu.dma_semaphore, #tpu.memory_space<semaphore_mem>>)
        %dma_wait3A_162 = tpu.memref_slice %arg6[%add3A_159] : memref<200704xf32, #tpu.memory_space<hbm>> -> memref<128xf32, #tpu.memory_space<hbm>>
        %dma_wait3A_163 = tpu.memref_slice %arg6[%add3A_159] : memref<200704xf32, #tpu.memory_space<hbm>> -> memref<128xf32, #tpu.memory_space<hbm>>
        tpu.wait_dma2 semaphore(%run_scoped3A : memref<!tpu.dma_semaphore, #tpu.memory_space<semaphore_mem>>) src(%arg14 : memref<128xf32, #tpu.memory_space<vmem>>) dst(%dma_wait3A_163 : memref<128xf32, #tpu.memory_space<hbm>>)
        tpu.yield
      }) : () -> ()
    }
    %dma_wait3A = arith.constant 0 : i32
    %dma_wait3A_32 = tpu.memref_slice %arg7[%dma_wait3A] : memref<6272xi32, #tpu.memory_space<vmem>> -> memref<128xi32, #tpu.memory_space<vmem>>
    %dma_wait3A_33 = arith.constant 0 : i32
    %dma_wait3A_34 = arith.constant 0 : i32
    %dma_wait3A_35 = tpu.memref_slice %arg2[%dma_wait3A_33, %dma_wait3A_34] : memref<100000x128xf32, #tpu.memory_space<hbm>> -> memref<100000x128xf32, #tpu.memory_space<hbm>>
    tpu.wait_indirect_dma semaphore(%arg15 : memref<!tpu.dma_semaphore, #tpu.memory_space<semaphore_mem>>) src(%dma_wait3A_35 : memref<100000x128xf32, #tpu.memory_space<hbm>>) dst(%arg9 : memref<128x128xf32, #tpu.memory_space<vmem>>)
    %dma_wait3A_36 = arith.constant 0 : i32
    %dma_wait3A_37 = tpu.memref_slice %arg8[%dma_wait3A_36] : memref<6272xi32, #tpu.memory_space<vmem>> -> memref<128xi32, #tpu.memory_space<vmem>>
    %dma_wait3A_38 = arith.constant 0 : i32
    %dma_wait3A_39 = arith.constant 0 : i32
    %dma_wait3A_40 = tpu.memref_slice %arg3[%dma_wait3A_38, %dma_wait3A_39] : memref<100000x128xf32, #tpu.memory_space<hbm>> -> memref<100000x128xf32, #tpu.memory_space<hbm>>
    tpu.wait_indirect_dma semaphore(%arg15 : memref<!tpu.dma_semaphore, #tpu.memory_space<semaphore_mem>>) src(%dma_wait3A_40 : memref<100000x128xf32, #tpu.memory_space<hbm>>) dst(%arg10 : memref<128x128xf32, #tpu.memory_space<vmem>>)
    %sub3A_41 = arith.constant 128 : i32
    %sub3A_42 = arith.constant 0 : i32
    %sub3A_43 = arith.subi %sub3A_41, %sub3A_42 : i32
    %sub3A_44 = arith.constant 1 : i32
    %sub3A_45 = arith.constant 1 : i32
    %sub3A_46 = arith.subi %sub3A_44, %sub3A_45 : i32
    %add3A_47 = arith.addi %sub3A_43, %sub3A_46 : i32
    %div3A_48 = arith.constant 1 : i32
    %div3A_49 = arith.divsi %add3A_47, %div3A_48 : i32
    %while3A_50 = arith.constant 1 : i32
    %while3A_51 = arith.constant 0 : i32
    %while3A_52 = arith.constant 0 : i32
    %while3A_53 = arith.subi %div3A_49, %while3A_52 : i32
    %while3A_54 = arith.addi %while3A_52, %while3A_53 : i32
    %while3A_55 = arith.constant 1 : i32
    %while3A_56 = arith.divsi %while3A_53, %while3A_55 : i32
    %while3A_57 = arith.muli %while3A_56, %while3A_55 : i32
    %while3A_58 = arith.addi %while3A_52, %while3A_57 : i32
    %while3A_59 = arith.constant 1 : i32
    scf.for %while3A_65 = %while3A_52 to %while3A_58 step %while3A_59  : i32 {
      %mul3A_66 = arith.muli %while3A_65, %while3A_50 : i32
      %add3A_67 = arith.addi %while3A_51, %mul3A_66 : i32
      %get3A = arith.index_cast %add3A_67 : i32 to index
      %get3A_68 = arith.constant 0 : index
      %get3A_69 = tpu.vector_load %arg9[%get3A, %get3A_68] {strides = array<i32>} : memref<128x128xf32, #tpu.memory_space<vmem>>, vector<16xf32>,
      %get3A_70 = arith.index_cast %add3A_67 : i32 to index
      %get3A_71 = arith.constant 0 : index
      %get3A_72 = tpu.vector_load %arg10[%get3A_70, %get3A_71] {strides = array<i32>} : memref<128x128xf32, #tpu.memory_space<vmem>>, vector<16xf32>,
      %mul3A_73 = arith.mulf %get3A_69, %get3A_72 : vector<16xf32>
      %get3A_74 = arith.index_cast %add3A_67 : i32 to index
      %get3A_75 = arith.constant 16 : index
      %get3A_76 = tpu.vector_load %arg9[%get3A_74, %get3A_75] {strides = array<i32>} : memref<128x128xf32, #tpu.memory_space<vmem>>, vector<16xf32>,
      %get3A_77 = arith.index_cast %add3A_67 : i32 to index
      %get3A_78 = arith.constant 16 : index
      %get3A_79 = tpu.vector_load %arg10[%get3A_77, %get3A_78] {strides = array<i32>} : memref<128x128xf32, #tpu.memory_space<vmem>>, vector<16xf32>,
      %mul3A_80 = arith.mulf %get3A_76, %get3A_79 : vector<16xf32>
      %add3A_81 = arith.addf %mul3A_73, %mul3A_80 : vector<16xf32>
      %get3A_82 = arith.index_cast %add3A_67 : i32 to index
      %get3A_83 = arith.constant 32 : index
      %get3A_84 = tpu.vector_load %arg9[%get3A_82, %get3A_83] {strides = array<i32>} : memref<128x128xf32, #tpu.memory_space<vmem>>, vector<16xf32>,
      %get3A_85 = arith.index_cast %add3A_67 : i32 to index
      %get3A_86 = arith.constant 32 : index
      %get3A_87 = tpu.vector_load %arg10[%get3A_85, %get3A_86] {strides = array<i32>} : memref<128x128xf32, #tpu.memory_space<vmem>>, vector<16xf32>,
      %mul3A_88 = arith.mulf %get3A_84, %get3A_87 : vector<16xf32>
      %add3A_89 = arith.addf %add3A_81, %mul3A_88 : vector<16xf32>
      %get3A_90 = arith.index_cast %add3A_67 : i32 to index
      %get3A_91 = arith.constant 48 : index
      %get3A_92 = tpu.vector_load %arg9[%get3A_90, %get3A_91] {strides = array<i32>} : memref<128x128xf32, #tpu.memory_space<vmem>>, vector<16xf32>,
      %get3A_93 = arith.index_cast %add3A_67 : i32 to index
      %get3A_94 = arith.constant 48 : index
      %get3A_95 = tpu.vector_load %arg10[%get3A_93, %get3A_94] {strides = array<i32>} : memref<128x128xf32, #tpu.memory_space<vmem>>, vector<16xf32>,
      %mul3A_96 = arith.mulf %get3A_92, %get3A_95 : vector<16xf32>
      %add3A_97 = arith.addf %add3A_89, %mul3A_96 : vector<16xf32>
      %get3A_98 = arith.index_cast %add3A_67 : i32 to index
      %get3A_99 = arith.constant 64 : index
      %get3A_100 = tpu.vector_load %arg9[%get3A_98, %get3A_99] {strides = array<i32>} : memref<128x128xf32, #tpu.memory_space<vmem>>, vector<16xf32>,
      %get3A_101 = arith.index_cast %add3A_67 : i32 to index
      %get3A_102 = arith.constant 64 : index
      %get3A_103 = tpu.vector_load %arg10[%get3A_101, %get3A_102] {strides = array<i32>} : memref<128x128xf32, #tpu.memory_space<vmem>>, vector<16xf32>,
      %mul3A_104 = arith.mulf %get3A_100, %get3A_103 : vector<16xf32>
      %add3A_105 = arith.addf %add3A_97, %mul3A_104 : vector<16xf32>
      %get3A_106 = arith.index_cast %add3A_67 : i32 to index
      %get3A_107 = arith.constant 80 : index
      %get3A_108 = tpu.vector_load %arg9[%get3A_106, %get3A_107] {strides = array<i32>} : memref<128x128xf32, #tpu.memory_space<vmem>>, vector<16xf32>,
      %get3A_109 = arith.index_cast %add3A_67 : i32 to index
      %get3A_110 = arith.constant 80 : index
      %get3A_111 = tpu.vector_load %arg10[%get3A_109, %get3A_110] {strides = array<i32>} : memref<128x128xf32, #tpu.memory_space<vmem>>, vector<16xf32>,
      %mul3A_112 = arith.mulf %get3A_108, %get3A_111 : vector<16xf32>
      %add3A_113 = arith.addf %add3A_105, %mul3A_112 : vector<16xf32>
      %get3A_114 = arith.index_cast %add3A_67 : i32 to index
      %get3A_115 = arith.constant 96 : index
      %get3A_116 = tpu.vector_load %arg9[%get3A_114, %get3A_115] {strides = array<i32>} : memref<128x128xf32, #tpu.memory_space<vmem>>, vector<16xf32>,
      %get3A_117 = arith.index_cast %add3A_67 : i32 to index
      %get3A_118 = arith.constant 96 : index
      %get3A_119 = tpu.vector_load %arg10[%get3A_117, %get3A_118] {strides = array<i32>} : memref<128x128xf32, #tpu.memory_space<vmem>>, vector<16xf32>,
      %mul3A_120 = arith.mulf %get3A_116, %get3A_119 : vector<16xf32>
      %add3A_121 = arith.addf %add3A_113, %mul3A_120 : vector<16xf32>
      %get3A_122 = arith.index_cast %add3A_67 : i32 to index
      %get3A_123 = arith.constant 112 : index
      %get3A_124 = tpu.vector_load %arg9[%get3A_122, %get3A_123] {strides = array<i32>} : memref<128x128xf32, #tpu.memory_space<vmem>>, vector<16xf32>,
      %get3A_125 = arith.index_cast %add3A_67 : i32 to index
      %get3A_126 = arith.constant 112 : index
      %get3A_127 = tpu.vector_load %arg10[%get3A_125, %get3A_126] {strides = array<i32>} : memref<128x128xf32, #tpu.memory_space<vmem>>, vector<16xf32>,
      %mul3A_128 = arith.mulf %get3A_124, %get3A_127 : vector<16xf32>
      %add3A_129 = arith.addf %add3A_121, %mul3A_128 : vector<16xf32>
      %reduce_sum3A = arith.constant true
      %reduce_sum3A_130 = vector.broadcast %reduce_sum3A : i1 to vector<16xi1>
      %reduce_sum3A_131 = tpu.scan <sum>, %add3A_129 masked %reduce_sum3A_130 : vector<16xf32>, vector<16xi1> -> vector<16xf32>
      %reduce_sum3A_132 = vector.extract %reduce_sum3A_131[15] : f32 from vector<16xf32>
      %broadcast_in_dim3A = vector.broadcast %reduce_sum3A_132 : f32 to vector<16xf32>
      %broadcast_in_dim3A_133 = vector.broadcast %add3A_67 : i32 to vector<16xi32>
      tpu.vector_store_idx %arg13[%broadcast_in_dim3A_133], %broadcast_in_dim3A masked %eq3A_2 : memref<128xf32, #tpu.memory_space<vmem>>[vector<16xi32>], vector<16xf32>, vector<16xi1>
    }
    %while3A_60 = arith.constant 1 : i32
    scf.for %while3A_65 = %while3A_58 to %while3A_54 step %while3A_60  : i32 {
      %mul3A_66 = arith.muli %while3A_65, %while3A_50 : i32
      %add3A_67 = arith.addi %while3A_51, %mul3A_66 : i32
      %get3A = arith.index_cast %add3A_67 : i32 to index
      %get3A_68 = arith.constant 0 : index
      %get3A_69 = tpu.vector_load %arg9[%get3A, %get3A_68] {strides = array<i32>} : memref<128x128xf32, #tpu.memory_space<vmem>>, vector<16xf32>,
      %get3A_70 = arith.index_cast %add3A_67 : i32 to index
      %get3A_71 = arith.constant 0 : index
      %get3A_72 = tpu.vector_load %arg10[%get3A_70, %get3A_71] {strides = array<i32>} : memref<128x128xf32, #tpu.memory_space<vmem>>, vector<16xf32>,
      %mul3A_73 = arith.mulf %get3A_69, %get3A_72 : vector<16xf32>
      %get3A_74 = arith.index_cast %add3A_67 : i32 to index
      %get3A_75 = arith.constant 16 : index
      %get3A_76 = tpu.vector_load %arg9[%get3A_74, %get3A_75] {strides = array<i32>} : memref<128x128xf32, #tpu.memory_space<vmem>>, vector<16xf32>,
      %get3A_77 = arith.index_cast %add3A_67 : i32 to index
      %get3A_78 = arith.constant 16 : index
      %get3A_79 = tpu.vector_load %arg10[%get3A_77, %get3A_78] {strides = array<i32>} : memref<128x128xf32, #tpu.memory_space<vmem>>, vector<16xf32>,
      %mul3A_80 = arith.mulf %get3A_76, %get3A_79 : vector<16xf32>
      %add3A_81 = arith.addf %mul3A_73, %mul3A_80 : vector<16xf32>
      %get3A_82 = arith.index_cast %add3A_67 : i32 to index
      %get3A_83 = arith.constant 32 : index
      %get3A_84 = tpu.vector_load %arg9[%get3A_82, %get3A_83] {strides = array<i32>} : memref<128x128xf32, #tpu.memory_space<vmem>>, vector<16xf32>,
      %get3A_85 = arith.index_cast %add3A_67 : i32 to index
      %get3A_86 = arith.constant 32 : index
      %get3A_87 = tpu.vector_load %arg10[%get3A_85, %get3A_86] {strides = array<i32>} : memref<128x128xf32, #tpu.memory_space<vmem>>, vector<16xf32>,
      %mul3A_88 = arith.mulf %get3A_84, %get3A_87 : vector<16xf32>
      %add3A_89 = arith.addf %add3A_81, %mul3A_88 : vector<16xf32>
      %get3A_90 = arith.index_cast %add3A_67 : i32 to index
      %get3A_91 = arith.constant 48 : index
      %get3A_92 = tpu.vector_load %arg9[%get3A_90, %get3A_91] {strides = array<i32>} : memref<128x128xf32, #tpu.memory_space<vmem>>, vector<16xf32>,
      %get3A_93 = arith.index_cast %add3A_67 : i32 to index
      %get3A_94 = arith.constant 48 : index
      %get3A_95 = tpu.vector_load %arg10[%get3A_93, %get3A_94] {strides = array<i32>} : memref<128x128xf32, #tpu.memory_space<vmem>>, vector<16xf32>,
      %mul3A_96 = arith.mulf %get3A_92, %get3A_95 : vector<16xf32>
      %add3A_97 = arith.addf %add3A_89, %mul3A_96 : vector<16xf32>
      %get3A_98 = arith.index_cast %add3A_67 : i32 to index
      %get3A_99 = arith.constant 64 : index
      %get3A_100 = tpu.vector_load %arg9[%get3A_98, %get3A_99] {strides = array<i32>} : memref<128x128xf32, #tpu.memory_space<vmem>>, vector<16xf32>,
      %get3A_101 = arith.index_cast %add3A_67 : i32 to index
      %get3A_102 = arith.constant 64 : index
      %get3A_103 = tpu.vector_load %arg10[%get3A_101, %get3A_102] {strides = array<i32>} : memref<128x128xf32, #tpu.memory_space<vmem>>, vector<16xf32>,
      %mul3A_104 = arith.mulf %get3A_100, %get3A_103 : vector<16xf32>
      %add3A_105 = arith.addf %add3A_97, %mul3A_104 : vector<16xf32>
      %get3A_106 = arith.index_cast %add3A_67 : i32 to index
      %get3A_107 = arith.constant 80 : index
      %get3A_108 = tpu.vector_load %arg9[%get3A_106, %get3A_107] {strides = array<i32>} : memref<128x128xf32, #tpu.memory_space<vmem>>, vector<16xf32>,
      %get3A_109 = arith.index_cast %add3A_67 : i32 to index
      %get3A_110 = arith.constant 80 : index
      %get3A_111 = tpu.vector_load %arg10[%get3A_109, %get3A_110] {strides = array<i32>} : memref<128x128xf32, #tpu.memory_space<vmem>>, vector<16xf32>,
      %mul3A_112 = arith.mulf %get3A_108, %get3A_111 : vector<16xf32>
      %add3A_113 = arith.addf %add3A_105, %mul3A_112 : vector<16xf32>
      %get3A_114 = arith.index_cast %add3A_67 : i32 to index
      %get3A_115 = arith.constant 96 : index
      %get3A_116 = tpu.vector_load %arg9[%get3A_114, %get3A_115] {strides = array<i32>} : memref<128x128xf32, #tpu.memory_space<vmem>>, vector<16xf32>,
      %get3A_117 = arith.index_cast %add3A_67 : i32 to index
      %get3A_118 = arith.constant 96 : index
      %get3A_119 = tpu.vector_load %arg10[%get3A_117, %get3A_118] {strides = array<i32>} : memref<128x128xf32, #tpu.memory_space<vmem>>, vector<16xf32>,
      %mul3A_120 = arith.mulf %get3A_116, %get3A_119 : vector<16xf32>
      %add3A_121 = arith.addf %add3A_113, %mul3A_120 : vector<16xf32>
      %get3A_122 = arith.index_cast %add3A_67 : i32 to index
      %get3A_123 = arith.constant 112 : index
      %get3A_124 = tpu.vector_load %arg9[%get3A_122, %get3A_123] {strides = array<i32>} : memref<128x128xf32, #tpu.memory_space<vmem>>, vector<16xf32>,
      %get3A_125 = arith.index_cast %add3A_67 : i32 to index
      %get3A_126 = arith.constant 112 : index
      %get3A_127 = tpu.vector_load %arg10[%get3A_125, %get3A_126] {strides = array<i32>} : memref<128x128xf32, #tpu.memory_space<vmem>>, vector<16xf32>,
      %mul3A_128 = arith.mulf %get3A_124, %get3A_127 : vector<16xf32>
      %add3A_129 = arith.addf %add3A_121, %mul3A_128 : vector<16xf32>
      %reduce_sum3A = arith.constant true
      %reduce_sum3A_130 = vector.broadcast %reduce_sum3A : i1 to vector<16xi1>
      %reduce_sum3A_131 = tpu.scan <sum>, %add3A_129 masked %reduce_sum3A_130 : vector<16xf32>, vector<16xi1> -> vector<16xf32>
      %reduce_sum3A_132 = vector.extract %reduce_sum3A_131[15] : f32 from vector<16xf32>
      %broadcast_in_dim3A = vector.broadcast %reduce_sum3A_132 : f32 to vector<16xf32>
      %broadcast_in_dim3A_133 = vector.broadcast %add3A_67 : i32 to vector<16xi32>
      tpu.vector_store_idx %arg13[%broadcast_in_dim3A_133], %broadcast_in_dim3A masked %eq3A_2 : memref<128xf32, #tpu.memory_space<vmem>>[vector<16xi32>], vector<16xf32>, vector<16xi1>
    }
    %mul3A_61 = arith.constant 48 : i32
    %mul3A_62 = arith.constant 128 : i32
    %mul3A_63 = arith.muli %mul3A_61, %mul3A_62 : i32
    %add3A_64 = arith.addi %mul3A_4, %mul3A_63 : i32
    "tpu.region"() ({
      %run_scoped3A = tpu.sem_alloc : memref<!tpu.dma_semaphore, #tpu.memory_space<semaphore_mem>>
      %dma_start3A_65 = tpu.memref_slice %arg6[%add3A_64] : memref<200704xf32, #tpu.memory_space<hbm>> -> memref<128xf32, #tpu.memory_space<hbm>>
      %dma_start3A_66 = tpu.memref_slice %arg6[%add3A_64] : memref<200704xf32, #tpu.memory_space<hbm>> -> memref<128xf32, #tpu.memory_space<hbm>>
      tpu.enqueue_dma source(%arg13 : memref<128xf32, #tpu.memory_space<vmem>>) target(%dma_start3A_66 : memref<128xf32, #tpu.memory_space<hbm>>) target_semaphore(%run_scoped3A : memref<!tpu.dma_semaphore, #tpu.memory_space<semaphore_mem>>)
      %dma_wait3A_67 = tpu.memref_slice %arg6[%add3A_64] : memref<200704xf32, #tpu.memory_space<hbm>> -> memref<128xf32, #tpu.memory_space<hbm>>
      %dma_wait3A_68 = tpu.memref_slice %arg6[%add3A_64] : memref<200704xf32, #tpu.memory_space<hbm>> -> memref<128xf32, #tpu.memory_space<hbm>>
      tpu.wait_dma2 semaphore(%run_scoped3A : memref<!tpu.dma_semaphore, #tpu.memory_space<semaphore_mem>>) src(%arg13 : memref<128xf32, #tpu.memory_space<vmem>>) dst(%dma_wait3A_68 : memref<128xf32, #tpu.memory_space<hbm>>)
      tpu.yield
    }) : () -> ()
    return
  }
}

#map = affine_map<(d0, d1) -> (0)>
module attributes {stable_mosaic.version = 14 : i64} {
  func.func @_mask_kernel(%arg0: i32, %arg1: i32, %arg2: memref<401408xi32, #tpu.memory_space<hbm>>, %arg3: memref<100000xf32, #tpu.memory_space<hbm>>, %arg4: memref<3200000xf32, #tpu.memory_space<hbm>>, %arg5: memref<100000xf32, #tpu.memory_space<vmem>>, %arg6: memref<12544xi32, #tpu.memory_space<vmem>>) attributes {dimension_semantics = [#tpu.dimension_semantics<core_parallel>, #tpu.dimension_semantics<subcore_parallel>], iteration_bounds = array<i64: 2, 16>, scalar_prefetch = 0 : i64, scratch_operands = 2 : i64, tpu.core_type = #tpu.core_type<sc_vector_subcore>, window_params = [{transform_indices = #map}, {transform_indices = #map}, {transform_indices = #map}]} {
    %mul3A = arith.constant 2 : i32
    %mul3A_0 = arith.muli %arg1, %mul3A : i32
    %add3A = arith.addi %mul3A_0, %arg0 : i32
    "tpu.region"() ({
      %run_scoped3A = tpu.sem_alloc : memref<!tpu.dma_semaphore, #tpu.memory_space<semaphore_mem>>
      tpu.enqueue_dma source(%arg3 : memref<100000xf32, #tpu.memory_space<hbm>>) target(%arg5 : memref<100000xf32, #tpu.memory_space<vmem>>) target_semaphore(%run_scoped3A : memref<!tpu.dma_semaphore, #tpu.memory_space<semaphore_mem>>)
      tpu.wait_dma2 semaphore(%run_scoped3A : memref<!tpu.dma_semaphore, #tpu.memory_space<semaphore_mem>>) src(%arg3 : memref<100000xf32, #tpu.memory_space<hbm>>) dst(%arg5 : memref<100000xf32, #tpu.memory_space<vmem>>)
      tpu.yield
    }) : () -> ()
    %mul3A_1 = arith.constant 12544 : i32
    %mul3A_2 = arith.muli %add3A, %mul3A_1 : i32
    "tpu.region"() ({
      %run_scoped3A = tpu.sem_alloc : memref<!tpu.dma_semaphore, #tpu.memory_space<semaphore_mem>>
      %dma_start3A = tpu.memref_slice %arg2[%mul3A_2] : memref<401408xi32, #tpu.memory_space<hbm>> -> memref<12544xi32, #tpu.memory_space<hbm>>
      %dma_start3A_23 = tpu.memref_slice %arg2[%mul3A_2] : memref<401408xi32, #tpu.memory_space<hbm>> -> memref<12544xi32, #tpu.memory_space<hbm>>
      tpu.enqueue_dma source(%dma_start3A_23 : memref<12544xi32, #tpu.memory_space<hbm>>) target(%arg6 : memref<12544xi32, #tpu.memory_space<vmem>>) target_semaphore(%run_scoped3A : memref<!tpu.dma_semaphore, #tpu.memory_space<semaphore_mem>>)
      %dma_wait3A = tpu.memref_slice %arg2[%mul3A_2] : memref<401408xi32, #tpu.memory_space<hbm>> -> memref<12544xi32, #tpu.memory_space<hbm>>
      %dma_wait3A_24 = tpu.memref_slice %arg2[%mul3A_2] : memref<401408xi32, #tpu.memory_space<hbm>> -> memref<12544xi32, #tpu.memory_space<hbm>>
      tpu.wait_dma2 semaphore(%run_scoped3A : memref<!tpu.dma_semaphore, #tpu.memory_space<semaphore_mem>>) src(%dma_wait3A_24 : memref<12544xi32, #tpu.memory_space<hbm>>) dst(%arg6 : memref<12544xi32, #tpu.memory_space<vmem>>)
      tpu.yield
    }) : () -> ()
    %broadcast_in_dim3A = arith.constant 1.000000e+00 : f32
    %broadcast_in_dim3A_3 = vector.broadcast %broadcast_in_dim3A : f32 to vector<16xf32>
    %sub3A = arith.constant 784 : i32
    %sub3A_4 = arith.constant 0 : i32
    %sub3A_5 = arith.subi %sub3A, %sub3A_4 : i32
    %sub3A_6 = arith.constant 1 : i32
    %sub3A_7 = arith.constant 1 : i32
    %sub3A_8 = arith.subi %sub3A_6, %sub3A_7 : i32
    %add3A_9 = arith.addi %sub3A_5, %sub3A_8 : i32
    %div3A = arith.constant 1 : i32
    %div3A_10 = arith.divsi %add3A_9, %div3A : i32
    %while3A = arith.constant 1 : i32
    %while3A_11 = arith.constant 0 : i32
    %while3A_12 = arith.constant 0 : i32
    %while3A_13 = arith.subi %div3A_10, %while3A_12 : i32
    %while3A_14 = arith.addi %while3A_12, %while3A_13 : i32
    %while3A_15 = arith.constant 1 : i32
    %while3A_16 = arith.divsi %while3A_13, %while3A_15 : i32
    %while3A_17 = arith.muli %while3A_16, %while3A_15 : i32
    %while3A_18 = arith.addi %while3A_12, %while3A_17 : i32
    %while3A_19 = arith.constant 1 : i32
    scf.for %while3A_23 = %while3A_12 to %while3A_18 step %while3A_19  : i32 {
      %mul3A_24 = arith.muli %while3A_23, %while3A : i32
      %add3A_25 = arith.addi %while3A_11, %mul3A_24 : i32
      %mul3A_26 = arith.constant 16 : i32
      %mul3A_27 = arith.muli %add3A_25, %mul3A_26 : i32
      %get3A = arith.index_cast %mul3A_27 : i32 to index
      %get3A_28 = tpu.vector_load %arg6[%get3A] {strides = array<i32>} : memref<12544xi32, #tpu.memory_space<vmem>>, vector<16xi32>,
      tpu.vector_store_idx %arg5[%get3A_28], %broadcast_in_dim3A_3 : memref<100000xf32, #tpu.memory_space<vmem>>[vector<16xi32>], vector<16xf32>,
    }
    %while3A_20 = arith.constant 1 : i32
    scf.for %while3A_23 = %while3A_18 to %while3A_14 step %while3A_20  : i32 {
      %mul3A_24 = arith.muli %while3A_23, %while3A : i32
      %add3A_25 = arith.addi %while3A_11, %mul3A_24 : i32
      %mul3A_26 = arith.constant 16 : i32
      %mul3A_27 = arith.muli %add3A_25, %mul3A_26 : i32
      %get3A = arith.index_cast %mul3A_27 : i32 to index
      %get3A_28 = tpu.vector_load %arg6[%get3A] {strides = array<i32>} : memref<12544xi32, #tpu.memory_space<vmem>>, vector<16xi32>,
      tpu.vector_store_idx %arg5[%get3A_28], %broadcast_in_dim3A_3 : memref<100000xf32, #tpu.memory_space<vmem>>[vector<16xi32>], vector<16xf32>,
    }
    %mul3A_21 = arith.constant 100000 : i32
    %mul3A_22 = arith.muli %add3A, %mul3A_21 : i32
    "tpu.region"() ({
      %run_scoped3A = tpu.sem_alloc : memref<!tpu.dma_semaphore, #tpu.memory_space<semaphore_mem>>
      %dma_start3A = tpu.memref_slice %arg4[%mul3A_22] : memref<3200000xf32, #tpu.memory_space<hbm>> -> memref<100000xf32, #tpu.memory_space<hbm>>
      %dma_start3A_23 = tpu.memref_slice %arg4[%mul3A_22] : memref<3200000xf32, #tpu.memory_space<hbm>> -> memref<100000xf32, #tpu.memory_space<hbm>>
      tpu.enqueue_dma source(%arg5 : memref<100000xf32, #tpu.memory_space<vmem>>) target(%dma_start3A_23 : memref<100000xf32, #tpu.memory_space<hbm>>) target_semaphore(%run_scoped3A : memref<!tpu.dma_semaphore, #tpu.memory_space<semaphore_mem>>)
      %dma_wait3A = tpu.memref_slice %arg4[%mul3A_22] : memref<3200000xf32, #tpu.memory_space<hbm>> -> memref<100000xf32, #tpu.memory_space<hbm>>
      %dma_wait3A_24 = tpu.memref_slice %arg4[%mul3A_22] : memref<3200000xf32, #tpu.memory_space<hbm>> -> memref<100000xf32, #tpu.memory_space<hbm>>
      tpu.wait_dma2 semaphore(%run_scoped3A : memref<!tpu.dma_semaphore, #tpu.memory_space<semaphore_mem>>) src(%arg5 : memref<100000xf32, #tpu.memory_space<vmem>>) dst(%dma_wait3A_24 : memref<100000xf32, #tpu.memory_space<hbm>>)
      tpu.yield
    }) : () -> ()
    return
  }
}

module attributes {stable_mosaic.version = 14 : i64} {
  func.func @_mm_body(%arg0: i32, %arg1: memref<2000x128xf32, #tpu.memory_space<vmem>>, %arg2: memref<128x128xf32, #tpu.memory_space<vmem>>, %arg3: memref<128x128xf32, #tpu.memory_space<vmem>>, %arg4: memref<2000x128xf32, #tpu.memory_space<vmem>>, %arg5: memref<2000x128xf32, #tpu.memory_space<vmem>>) attributes {dimension_semantics = [#tpu.dimension_semantics<parallel>], iteration_bounds = array<i64: 50>, scalar_prefetch = 0 : i64, scratch_operands = 0 : i64, tpu.core_type = #tpu.core_type<tc>, window_params = [{transform_indices = @transform_0, window_bounds = array<i64: 2000, 128>}, {pipeline_mode = #tpu.pipeline_mode<synchronous>, transform_indices = @transform_1, window_bounds = array<i64: 128, 128>}, {pipeline_mode = #tpu.pipeline_mode<synchronous>, transform_indices = @transform_2, window_bounds = array<i64: 128, 128>}, {transform_indices = @transform_3, window_bounds = array<i64: 2000, 128>}, {transform_indices = @transform_4, window_bounds = array<i64: 2000, 128>}]} {
    %get3A = arith.constant 0 : index
    %get3A_0 = arith.constant 0 : index
    %get3A_1 = vector.load %arg1[%get3A, %get3A_0] : memref<2000x128xf32, #tpu.memory_space<vmem>>, vector<2000x128xf32>
    %get3A_2 = arith.constant 0 : index
    %get3A_3 = arith.constant 0 : index
    %get3A_4 = vector.load %arg2[%get3A_2, %get3A_3] : memref<128x128xf32, #tpu.memory_space<vmem>>, vector<128x128xf32>
    %dot_general3A = arith.constant dense<0.000000e+00> : vector<2000x128xf32>
    %dot_general3A_5 = tpu.matmul %get3A_1, %get3A_4, %dot_general3A {dimension_numbers = #tpu.dot_dimension_numbers<[1], [0], [0], [1], [0, 0, 1, 1], [], []>, transpose_lhs_hint = false} : vector<2000x128xf32>, vector<128x128xf32>, vector<2000x128xf32> -> vector<2000x128xf32>
    %max3A = arith.constant 0.000000e+00 : f32
    %max3A_6 = vector.broadcast %max3A : f32 to vector<2000x128xf32>
    %max3A_7 = arith.maximumf %dot_general3A_5, %max3A_6 : vector<2000x128xf32>
    %swap3A = arith.constant 0 : index
    %swap3A_8 = arith.constant 0 : index
    %swap3A_9 = vector.load %arg4[%swap3A, %swap3A_8] : memref<2000x128xf32, #tpu.memory_space<vmem>>, vector<2000x128xf32>
    tpu.vector_store %arg4[%swap3A, %swap3A_8], %max3A_7 {strides = array<i32>} : memref<2000x128xf32, #tpu.memory_space<vmem>>, vector<2000x128xf32>,
    %get3A_10 = arith.constant 0 : index
    %get3A_11 = arith.constant 0 : index
    %get3A_12 = vector.load %arg3[%get3A_10, %get3A_11] : memref<128x128xf32, #tpu.memory_space<vmem>>, vector<128x128xf32>
    %dot_general3A_13 = arith.constant dense<0.000000e+00> : vector<2000x128xf32>
    %dot_general3A_14 = tpu.matmul %max3A_7, %get3A_12, %dot_general3A_13 {dimension_numbers = #tpu.dot_dimension_numbers<[1], [0], [0], [1], [0, 0, 1, 1], [], []>, transpose_lhs_hint = false} : vector<2000x128xf32>, vector<128x128xf32>, vector<2000x128xf32> -> vector<2000x128xf32>
    %swap3A_15 = arith.constant 0 : index
    %swap3A_16 = arith.constant 0 : index
    %swap3A_17 = vector.load %arg5[%swap3A_15, %swap3A_16] : memref<2000x128xf32, #tpu.memory_space<vmem>>, vector<2000x128xf32>
    tpu.vector_store %arg5[%swap3A_15, %swap3A_16], %dot_general3A_14 {strides = array<i32>} : memref<2000x128xf32, #tpu.memory_space<vmem>>, vector<2000x128xf32>,
    return
  }
  func.func @transform_0(%arg0: i32) -> (i32, i32) {
    %c0_i32 = arith.constant 0 : i32
    %c0_i32_0 = arith.constant 0 : i32
    return %arg0, %c0_i32 : i32, i32
  }
  func.func @transform_1(%arg0: i32) -> (i32, i32) {
    %c0_i32 = arith.constant 0 : i32
    %c0_i32_0 = arith.constant 0 : i32
    %c0_i32_1 = arith.constant 0 : i32
    return %c0_i32, %c0_i32_0 : i32, i32
  }
  func.func @transform_2(%arg0: i32) -> (i32, i32) {
    %c0_i32 = arith.constant 0 : i32
    %c0_i32_0 = arith.constant 0 : i32
    %c0_i32_1 = arith.constant 0 : i32
    return %c0_i32, %c0_i32_0 : i32, i32
  }
  func.func @transform_3(%arg0: i32) -> (i32, i32) {
    %c0_i32 = arith.constant 0 : i32
    %c0_i32_0 = arith.constant 0 : i32
    return %arg0, %c0_i32 : i32, i32
  }
  func.func @transform_4(%arg0: i32) -> (i32, i32) {
    %c0_i32 = arith.constant 0 : i32
    %c0_i32_0 = arith.constant 0 : i32
    return %arg0, %c0_i32 : i32, i32
  }
}

module attributes {stable_mosaic.version = 14 : i64} {
  func.func @_merge_body(%arg0: i32, %arg1: memref<32x2048xf32, #tpu.memory_space<vmem>>, %arg2: memref<2048x16xf32, #tpu.memory_space<vmem>>) attributes {dimension_semantics = [#tpu.dimension_semantics<parallel>], iteration_bounds = array<i64: 49>, scalar_prefetch = 0 : i64, scratch_operands = 0 : i64, tpu.core_type = #tpu.core_type<tc>, window_params = [{transform_indices = @transform_0, window_bounds = array<i64: 32, 2048>}, {transform_indices = @transform_1, window_bounds = array<i64: 2048, 16>}]} {
    %broadcast_in_dim3A = arith.constant 1.000000e+00 : f32
    %broadcast_in_dim3A_0 = vector.broadcast %broadcast_in_dim3A : f32 to vector<32x16xf32>
    %get3A = arith.constant 0 : index
    %get3A_1 = arith.constant 0 : index
    %get3A_2 = vector.load %arg1[%get3A, %get3A_1] : memref<32x2048xf32, #tpu.memory_space<vmem>>, vector<32x2048xf32>
    %transpose3A = tpu.transpose %get3A_2, [1, 0] : vector<32x2048xf32> -> vector<2048x32xf32>
    %dot_general3A = arith.constant dense<0.000000e+00> : vector<2048x16xf32>
    %dot_general3A_3 = tpu.matmul %transpose3A, %broadcast_in_dim3A_0, %dot_general3A {dimension_numbers = #tpu.dot_dimension_numbers<[1], [0], [0], [1], [0, 0, 1, 1], [], []>, transpose_lhs_hint = false} : vector<2048x32xf32>, vector<32x16xf32>, vector<2048x16xf32> -> vector<2048x16xf32>
    %swap3A = arith.constant 0 : index
    %swap3A_4 = arith.constant 0 : index
    %swap3A_5 = vector.load %arg2[%swap3A, %swap3A_4] : memref<2048x16xf32, #tpu.memory_space<vmem>>, vector<2048x16xf32>
    tpu.vector_store %arg2[%swap3A, %swap3A_4], %dot_general3A_3 {strides = array<i32>} : memref<2048x16xf32, #tpu.memory_space<vmem>>, vector<2048x16xf32>,
    return
  }
  func.func @transform_0(%arg0: i32) -> (i32, i32) {
    %c0_i32 = arith.constant 0 : i32
    %c0_i32_0 = arith.constant 0 : i32
    return %c0_i32, %arg0 : i32, i32
  }
  func.func @transform_1(%arg0: i32) -> (i32, i32) {
    %c0_i32 = arith.constant 0 : i32
    %c0_i32_0 = arith.constant 0 : i32
    return %arg0, %c0_i32 : i32, i32
  }
}

module attributes {stable_mosaic.version = 14 : i64} {
  func.func @_sel_body(%arg0: i32, %arg1: memref<2000x128xf32, #tpu.memory_space<vmem>>, %arg2: memref<2000x16xf32, #tpu.memory_space<vmem>>, %arg3: memref<2000x128xf32, #tpu.memory_space<vmem>>, %arg4: memref<2000x128xf32, #tpu.memory_space<vmem>>) attributes {dimension_semantics = [#tpu.dimension_semantics<parallel>], iteration_bounds = array<i64: 50>, scalar_prefetch = 0 : i64, scratch_operands = 0 : i64, tpu.core_type = #tpu.core_type<tc>, window_params = [{transform_indices = @transform_0, window_bounds = array<i64: 2000, 128>}, {transform_indices = @transform_1, window_bounds = array<i64: 2000, 16>}, {transform_indices = @transform_2, window_bounds = array<i64: 2000, 128>}, {transform_indices = @transform_3, window_bounds = array<i64: 2000, 128>}]} {
    %get3A = arith.constant 0 : index
    %get3A_0 = arith.constant 0 : index
    %get3A_1 = vector.load %arg2[%get3A, %get3A_0] : memref<2000x16xf32, #tpu.memory_space<vmem>>, vector<2000x16xf32>
    %slice3A = vector.extract_strided_slice %get3A_1 {offsets = [0, 0], sizes = [2000, 1], strides = [1, 1]} : vector<2000x16xf32> to vector<2000x1xf32>
    %gt3A = arith.constant 0.000000e+00 : f32
    %gt3A_2 = vector.broadcast %gt3A : f32 to vector<2000x1xf32>
    %gt3A_3 = arith.cmpf ogt, %slice3A, %gt3A_2 : vector<2000x1xf32>
    %get3A_4 = arith.constant 0 : index
    %get3A_5 = arith.constant 0 : index
    %get3A_6 = vector.load %arg1[%get3A_4, %get3A_5] : memref<2000x128xf32, #tpu.memory_space<vmem>>, vector<2000x128xf32>
    %get3A_7 = arith.constant 0 : index
    %get3A_8 = arith.constant 0 : index
    %get3A_9 = vector.load %arg3[%get3A_7, %get3A_8] : memref<2000x128xf32, #tpu.memory_space<vmem>>, vector<2000x128xf32>
    %broadcast_in_dim3A = vector.shape_cast %gt3A_3 : vector<2000x1xi1> to vector<2000x1xi1>
    %broadcast_in_dim3A_10 = vector.broadcast %broadcast_in_dim3A : vector<2000x1xi1> to vector<2000x128xi1>
    %select_n3A = arith.select %broadcast_in_dim3A_10, %get3A_6, %get3A_9 : vector<2000x128xi1>, vector<2000x128xf32>
    %swap3A = arith.constant 0 : index
    %swap3A_11 = arith.constant 0 : index
    %swap3A_12 = vector.load %arg4[%swap3A, %swap3A_11] : memref<2000x128xf32, #tpu.memory_space<vmem>>, vector<2000x128xf32>
    tpu.vector_store %arg4[%swap3A, %swap3A_11], %select_n3A {strides = array<i32>} : memref<2000x128xf32, #tpu.memory_space<vmem>>, vector<2000x128xf32>,
    return
  }
  func.func @transform_0(%arg0: i32) -> (i32, i32) {
    %c0_i32 = arith.constant 0 : i32
    %c0_i32_0 = arith.constant 0 : i32
    return %arg0, %c0_i32 : i32, i32
  }
  func.func @transform_1(%arg0: i32) -> (i32, i32) {
    %c0_i32 = arith.constant 0 : i32
    %c0_i32_0 = arith.constant 0 : i32
    return %arg0, %c0_i32 : i32, i32
  }
  func.func @transform_2(%arg0: i32) -> (i32, i32) {
    %c0_i32 = arith.constant 0 : i32
    %c0_i32_0 = arith.constant 0 : i32
    return %arg0, %c0_i32 : i32, i32
  }
  func.func @transform_3(%arg0: i32) -> (i32, i32) {
    %c0_i32 = arith.constant 0 : i32
    %c0_i32_0 = arith.constant 0 : i32
    return %arg0, %c0_i32 : i32, i32
  }
}

module attributes {stable_mosaic.version = 14 : i64} {
  func.func @_loss_body(%arg0: memref<1568x128xf32, #tpu.memory_space<vmem>>, %arg1: memref<1x1xf32, #tpu.memory_space<vmem>>) attributes {dimension_semantics = [], scalar_prefetch = 0 : i64, scratch_operands = 0 : i64, tpu.core_type = #tpu.core_type<tc>} {
    %get3A = arith.constant 0 : index
    %get3A_0 = arith.constant 0 : index
    %get3A_1 = vector.load %arg0[%get3A, %get3A_0] : memref<1568x128xf32, #tpu.memory_space<vmem>>, vector<1568x128xf32>
    %neg3A = arith.constant 0.000000e+00 : f32
    %neg3A_2 = vector.broadcast %neg3A : f32 to vector<1568x128xf32>
    %neg3A_3 = arith.subf %neg3A_2, %get3A_1 : vector<1568x128xf32>
    %max3A = arith.constant 0.000000e+00 : f32
    %max3A_4 = vector.broadcast %max3A : f32 to vector<1568x128xf32>
    %max3A_5 = arith.maximumf %neg3A_3, %max3A_4 : vector<1568x128xf32>
    %abs3A = math.absf %neg3A_3 : vector<1568x128xf32>
    %neg3A_6 = arith.constant 0.000000e+00 : f32
    %neg3A_7 = vector.broadcast %neg3A_6 : f32 to vector<1568x128xf32>
    %neg3A_8 = arith.subf %neg3A_7, %abs3A : vector<1568x128xf32>
    %exp3A = math.exp %neg3A_8 : vector<1568x128xf32>
    %log1p3A = math.log1p %exp3A : vector<1568x128xf32>
    %add3A = arith.addf %max3A_5, %log1p3A : vector<1568x128xf32>
    %iota3A = tpu.iota {dimensions = array<i32: 0>} : vector<1568x128xi32>
    %iota3A_9 = tpu.iota {dimensions = array<i32: 1>} : vector<1568x128xi32>
    %mul3A = arith.constant 128 : i32
    %mul3A_10 = vector.broadcast %mul3A : i32 to vector<1568x128xi32>
    %mul3A_11 = arith.muli %iota3A, %mul3A_10 : vector<1568x128xi32>
    %add3A_12 = arith.addi %mul3A_11, %iota3A_9 : vector<1568x128xi32>
    %lt3A = arith.constant 200000 : i32
    %lt3A_13 = vector.broadcast %lt3A : i32 to vector<1568x128xi32>
    %lt3A_14 = arith.cmpi slt, %add3A_12, %lt3A_13 : vector<1568x128xi32>
    %jit3A = arith.constant 0.000000e+00 : f64
    %convert_element_type3A = arith.truncf %jit3A : f64 to f32
    %broadcast_in_dim3A = vector.broadcast %convert_element_type3A : f32 to vector<1568x128xf32>
    %select_n3A = arith.select %lt3A_14, %add3A, %broadcast_in_dim3A : vector<1568x128xi1>, vector<1568x128xf32>
    %broadcast_in_dim3A_15 = arith.constant 1.000000e+00 : f32
    %broadcast_in_dim3A_16 = vector.broadcast %broadcast_in_dim3A_15 : f32 to vector<1x1xf32>
    %reduce_sum3A = vector.shape_cast %select_n3A : vector<1568x128xf32> to vector<1x1568x128xf32>
    %reduce_sum3A_17 = arith.constant dense<0.000000e+00> : vector<1xf32>
    %reduce_sum3A_18 = vector.multi_reduction <add>, %reduce_sum3A, %reduce_sum3A_17 [1, 2] : vector<1x1568x128xf32> to vector<1xf32>
    %reduce_sum3A_19 = vector.shape_cast %reduce_sum3A_18 : vector<1xf32> to vector<1x1x1xf32>
    %reduce_sum3A_20 = vector.extract %reduce_sum3A_19[0, 0, 0] : f32 from vector<1x1x1xf32>
    %mul3A_21 = arith.constant 5.000000e-06 : f32
    %mul3A_22 = arith.mulf %reduce_sum3A_20, %mul3A_21 : f32
    %mul3A_23 = vector.broadcast %mul3A_22 : f32 to vector<1x1xf32>
    %mul3A_24 = arith.mulf %broadcast_in_dim3A_16, %mul3A_23 : vector<1x1xf32>
    %swap3A = arith.constant 0 : index
    %swap3A_25 = arith.constant 0 : index
    %swap3A_26 = vector.load %arg1[%swap3A, %swap3A_25] : memref<1x1xf32, #tpu.memory_space<vmem>>, vector<1x1xf32>
    tpu.vector_store %arg1[%swap3A, %swap3A_25], %mul3A_24 {strides = array<i32>} : memref<1x1xf32, #tpu.memory_space<vmem>>, vector<1x1xf32>,
    return
  }
}

</mosaic_0001>

<sc_bundles>
// kernel: kernel.11.cloned.1.call-start
scs
__scs_entry_jumppad:
0x0: {  	(pc) =	sbr.rel $0x88, $3  }
0x1: {  	(tag) =	ssettag $0x0;
	lr =	simm.s32 $0x1  }
0x2: {  	[smem:$0x3F9C] =	sst lr;
	_ =	strace $0xD0000000  }
0x3: {  	_ = 	snop  }
0x4: {  	_ = 	snop  }
0x5: {  	_ = 	snop  }
0x6: {  	_ = 	snop  }
0x7: {  	_ = 	snop  }
__scs_overlays_trampoline_lowered:
0x8: {  	[smem:$0x3FAB] =	sst s0  }
0x9: {  	[smem:$0x3FAC] =	sst s1  }
0xa: {  	[smem:$0x3FAD] =	sst s2  }
0xb: {  	[smem:$0x3FAE] =	sst s3  }
0xc: {  	[smem:$0x3FAF] =	sst s4  }
0xd: {  	[smem:$0x3FB0] =	sst s5  }
0xe: {  	[smem:$0x3FB1] =	sst s6  }
0xf: {  	[smem:$0x3FB2] =	sst s7  }
0x10: {  	[smem:$0x3FB3] =	sst s8  }
0x11: {  	[smem:$0x3FB4] =	sst s9;
	s0 =	simm.s32 @!p0 $0x0  }
0x12: {  	s1 =	sld [smem:$0x3F9A];
	s0 =	simm.s32 @p0 $0x1  }
0x13: {  	[smem:$0x3FB5] =	sst s0;
	s0 =	simm.s32 @!p1 $0x0  }
0x14: {  	s2 =	sld [smem:$0x3F99];
	s0 =	simm.s32 @p1 $0x1  }
0x15: {  	[smem:$0x3FB6] =	sst s0;
	s0 =	simm.s32 @!p2 $0x0  }
0x16: {  	s3 =	sld [smem:$0x3FDB];
	s0 =	simm.s32 @p2 $0x1  }
0x17: {  	s4 =	simm.s32 $0x1BF5;
	[smem:$0x3FB8] =	sst s0  }
0x18: {  	s0 =	sld [smem:$0x3F9B];
	_ =	swait.ge [sflag:s4], $0x0  }
0x19: {  	s7 =	sld [smem:$0x3F9C]  }
0x1a: {  	s8 =	sadd.s32 $0xFFFFE003, lr  }
0x1b: {  	s9 =	sadd.s32 $0xFFFFFEF7, lr;
	s5 =	simm.s32 $0xFFFFFFFF;
	p2 =	slt.u32 s8, $0xFFFFF086  }
0x1c: {  	p1 =	slt.u32 s9, $0xF7A;
	s5 =	simm.s32 @!p2 $0x0  }
0x1d: {  	s5 =	simm.s32 @p1 $0x1;
	p0 =	seq.s32 s7, s2  }
0x1e: {  	s7 =	smul.u32 @!p0 $0xF7A, s2;
	p2 =	seq.s32 @!p0 s5, $0x0  }
0x1f: {  	s9 =	smul.u32 $0xF7A, s1;
	s8 =	simm.s32 @!p0 $0x1BF5;
	p2 =	por !p2, p0  }
0x20: {  	[sflag:s8] =	ssyncset.s32 @!p0 $0xFFFFF086;
	s6 =	sadd.s32 @!p0 s3, s7;
	s7 =	simm.s32 @!p0 $0x108  }
0x21: {  	s3 =	sadd.s32 s3, s9;
	s6 =	sadd.s32 @!p0 $0x88, s6;
	s7 =	simm.s32 @p2 $0x1082  }
0x22: {  	[simem:s7], [sflag:s8] =	dma.local @!p0 [hbm:s6], $0xF7A  }
0x23: {  	s9 =	sor.u32 $0xD0000000, s2;
	s6 =	simm.s32 $0x108;
	_ =	swait.ge @!p0 [sflag:s8], $0x0  }
0x24: {  	s3 =	sadd.s32 $0x88, s3;
	s6 =	simm.s32 @!p1 $0x1082;
	[sflag:s4] =	ssyncset.s32 $0xFFFFF086  }
0x25: {  	[simem:s6], [sflag:s4] =	dma.local [hbm:s3], $0xF7A  }
0x26: {  	[smem:$0x3F9C] =	sst s1;
	(tag) =	ssettag s2;
	_ =	strace s9  }
0x27: {  	s1 =	sld [smem:$0x3FAC]  }
0x28: {  	s2 =	sld [smem:$0x3FAD]  }
0x29: {  	s4 =	sld [smem:$0x3FAF]  }
0x2a: {  	p0 =	seq.s32 s5, $0x0;
	s5 =	sld [smem:$0x3FB0]  }
0x2b: {  	s6 =	sld [smem:$0x3FB1]  }
0x2c: {  	s7 =	sld [smem:$0x3FB2]  }
0x2d: {  	s3 =	simm.s32 $0x108;
	s8 =	sld [smem:$0x3FB3]  }
0x2e: {  	s3 =	simm.s32 @!p0 $0x1082;
	s9 =	sld [smem:$0x3FB4]  }
0x2f: {  	lr =	sadd.s32 s0, s3;
	s0 =	sld [smem:$0x3FAB]  }
0x30: {  	s3 =	sld [smem:$0x3FAE]  }
0x31: {  	[smem:$0x3FB7] =	sst s10  }
0x32: {  	s10 =	sld [smem:$0x3FB5];
	_ =	sdelay $0x3  }
0x33: {  	p0 =	seq.s32 s10, $0x1;
	s10 =	sld [smem:$0x3FB7];
	_ =	sdelay $0x3  }
0x34: {  	[smem:$0x3FB7] =	sst s10  }
0x35: {  	s10 =	sld [smem:$0x3FB6];
	_ =	sdelay $0x3  }
0x36: {  	p1 =	seq.s32 s10, $0x1;
	s10 =	sld [smem:$0x3FB7];
	_ =	sdelay $0x3  }
0x37: {  	[smem:$0x3FB7] =	sst s10  }
0x38: {  	s10 =	sld [smem:$0x3FB8]  }
0x39: {  	_ = 	snop;
	(pc) =	sbr.ind lr, $3  }
0x3a: {  	_ = 	snop  }
0x3b: {  	_ = 	snop  }
0x3c: {  	p2 =	seq.s32 s10, $0x1;
	s10 =	sld [smem:$0x3FB7]  }
0x3d: {  	_ =	shalt  }
0x3e: {  	_ =	shalt  }
0x3f: {  	_ =	shalt  }
0x40: {  	_ =	shalt  }
0x41: {  	_ =	shalt  }
0x42: {  	_ =	shalt  }
0x43: {  	_ =	shalt  }
0x44: {  	_ =	shalt  }
0x45: {  	_ =	shalt  }
0x46: {  	_ =	shalt  }
0x47: {  	_ =	shalt  }
0x48: {  	_ =	shalt  }
0x49: {  	_ =	shalt  }
0x4a: {  	_ =	shalt  }
0x4b: {  	_ =	shalt  }
0x4c: {  	_ =	shalt  }
0x4d: {  	_ =	shalt  }
0x4e: {  	_ =	shalt  }
0x4f: {  	_ =	shalt  }
0x50: {  	_ =	shalt  }
0x51: {  	_ =	shalt  }
0x52: {  	_ =	shalt  }
0x53: {  	_ =	shalt  }
0x54: {  	_ =	shalt  }
0x55: {  	_ =	shalt  }
0x56: {  	_ =	shalt  }
0x57: {  	_ =	shalt  }
0x58: {  	_ =	shalt  }
0x59: {  	_ =	shalt  }
0x5a: {  	_ =	shalt  }
0x5b: {  	_ =	shalt  }
0x5c: {  	_ =	shalt  }
0x5d: {  	_ =	shalt  }
0x5e: {  	_ =	shalt  }
0x5f: {  	_ =	shalt  }
0x60: {  	_ =	shalt  }
0x61: {  	_ =	shalt  }
0x62: {  	_ =	shalt  }
0x63: {  	_ =	shalt  }
0x64: {  	_ =	shalt  }
0x65: {  	_ =	shalt  }
0x66: {  	_ =	shalt  }
0x67: {  	_ =	shalt  }
0x68: {  	_ =	shalt  }
0x69: {  	_ =	shalt  }
0x6a: {  	_ =	shalt  }
0x6b: {  	_ =	shalt  }
0x6c: {  	_ =	shalt  }
0x6d: {  	_ =	shalt  }
0x6e: {  	_ =	shalt  }
0x6f: {  	_ =	shalt  }
0x70: {  	_ =	shalt  }
0x71: {  	_ =	shalt  }
0x72: {  	_ =	shalt  }
0x73: {  	_ =	shalt  }
0x74: {  	_ =	shalt  }
0x75: {  	_ =	shalt  }
0x76: {  	_ =	shalt  }
0x77: {  	_ =	shalt  }
0x78: {  	_ =	shalt  }
0x79: {  	_ =	shalt  }
0x7a: {  	_ =	shalt  }
0x7b: {  	_ =	shalt  }
0x7c: {  	_ =	shalt  }
0x7d: {  	_ =	shalt  }
0x7e: {  	_ =	shalt  }
0x7f: {  	_ =	shalt  }
0x80: {  	_ =	shalt  }
0x81: {  	_ =	shalt  }
0x82: {  	_ =	shalt  }
0x83: {  	_ =	shalt  }
0x84: {  	_ =	shalt  }
0x85: {  	_ =	shalt  }
0x86: {  	_ =	shalt  }
0x87: {  	_ =	shalt  }
.Lfunc_end0:
.L_simem_size_0:
called_computation.1_lowered:
.L_overlay_start_0:
0x88: {  	s2 =	sld [smem:$0x3FD9]  }
0x89: {  	s3 =	sld [smem:$0x3FFE];
	_ =	sdelay $0x1  }
0x8a: {  	s1 =	srdreg.scid  }
0x8b: {  	s0 =	sand.u32 $0x1, s1  }
0x8c: {  	s16 =	sshll.u32 s0, $0xA;
	s2 =	sadd.s32 s3, s2  }
0x8d: {  	s2 =	sadd.s32 s2, s16  }
0x8e: {  	[smem:$0x3FC3] =	sst s2  }
0x8f: {  	_ = 	snop  }
0x90: {  	(tm) =	ssettm $0x1  }
0x91: {  	s17 =	sld [smem:$0x3FFB];
	_ =	sdelay $0x3  }
0x92: {  	_ =	strace s17  }
0x93: {  	s2 =	sld [smem:$0x3FFC];
	_ =	sdelay $0x3  }
0x94: {  	_ =	strace s2  }
0x95: {  	s2 =	sld [smem:$0x3FFD];
	_ =	sdelay $0x3  }
0x96: {  	_ =	strace s2  }
0x97: {  	_ =	strace $0x8FFFFFFF  }
0x98: {  	s18 =	sld [smem:$0x3FDB];
	_ =	sdelay $0x1  }
0x99: {  	s19 =	simm.s32 $_scs_section_size  }
0x9a: {  	s4 =	simm.s32 $_size__tile_overlayer_lowered;
	s5 =	simm.s32 $_tile_overlayer_lowered  }
0x9b: {  	s22 =	simm.s32 $0x1BFF;
	s21 =	sshll.u32 s5, $0x1;
	s2 =	sadd.s32 s19, s18  }
0x9c: {  	s6 =	simm.s32 $0x0;
	s20 =	sshll.u32 s4, $0x1;
	s4 =	sadd.s32 s21, s2  }
0x9d: {  	[timem:s6], [sflag:s22] =	dma.local [hbm:s4], s20  }
0x9e: {  	_ =	swait.ge [sflag:s22], s20  }
0x9f: {  	s3 =	ssub.s32 $0x0, s20;
	[sflag:s22] =	ssyncset.done $0x0  }
0xa0: {  	[sflag:s22] =	ssyncadd.s32 s3;
	_ =	sdelay $0x1  }
0xa1: {  	s23 =	simm.s32 $0x1B8B  }
0xa2: {  	_ =	swait.ge [sflag:s23], $0x1  }
0xa3: {  	[sflag:s23] =	ssyncset.done $0x0  }
0xa4: {  	s25 =	simm.s32 $0x1B8E;
	s24 =	sld [smem:$0x3FFE];
	[sflag:s23] =	ssyncadd.s32 $0xFFFFFFFF  }
0xa5: {  	s26 =	simm.s32 $execute0_lowered;
	[smem:$0x3FD2] =	sst s25  }
0xa6: {  	s4 =	sshll.u32 s26, $0x1;
	_ =	strace $0x80000049;
	[dreg:$0x1] =	wrdreg $0xFFFFFFFF  }
0xa7: {  	s28 =	simm.s32 $_size_execute0_lowered;
	s2 =	sadd.s32 s2, s4;
	[dreg:$0x0] =	wrdreg $0x0  }
0xa8: {  	s4 =	sshll.u32 s28, $0x1;
	[dreg:$0x2] =	wrdreg s2  }
0xa9: {  	[dreg:$0x3] =	wrdreg s4  }
0xaa: {  	[dreg:$0x4] =	wrdreg $0xC0  }
0xab: {  	_ =	task [dreg:s6], $0x5FFFF  }
0xac: {  	[dreg:$0x1] =	wrdreg $0xFFFFFFFF  }
0xad: {  	[dreg:$0x0] =	wrdreg $0x60  }
0xae: {  	[dreg:$0x2] =	wrdreg s24  }
0xaf: {  	[dreg:$0x3] =	wrdreg $0x9  }
0xb0: {  	_ =	task.clear_ibuf [dreg:s6], $0x4FFFF;
	_ =	strace $0x90000049  }
0xb1: {  	s29 =	simm.s32 $0x9;
	_ =	strace $0x8000004B  }
0xb2: {  	_ =	swait.ge [sflag:s29], $0x1  }
0xb3: {  	[sflag:s29] =	ssyncadd.s32 $0xFFFFFFFF  }
0xb4: {  	_ =	strace $0x9000004B  }
0xb5: {  	_ =	sfence  }
0xb6: {  	s30 =	sld [smem:$0x0];
	_ =	sdelay $0x2  }
0xb7: {  	s31 =	sshll.u32 s1, $0xD;
	s1 =	sshrl.u32 s1, $0x2  }
0xb8: {  	s3 =	sand.u32 $0x4000, s31;
	s1 =	sadd.s32 s1, s30  }
0xb9: {  	s0 =	sor.u32 s3, s0;
	s1 =	sshll.u32 s1, $0x11  }
0xba: {  	s0 =	sor.u32 s1, s0  }
0xbb: {  	s0 =	sadd.s32 $0x8F2B, s0  }
0xbc: {  	[sflag:s0] =	ssyncadd.remote.s32 $0x1  }
0xbd: {  	_ =	sfence.sel $0xFFFF  }
0xbe: {  	[dreg:$0x0] =	wrdreg $0xFFFFFFFF;
	(pc) =	sbr.abs _section_cstart, $3  }
0xbf: {  	[dreg:$0x1] =	wrdreg $0xFFFFFFFF  }
0xc0: {  	_ =	task.clear_ibuf [dreg:s6], $0x2FFFF;
	_ =	strace $0x9FFFFFFF  }
0xc1: {  	(tm) =	ssettm $0x7FFFFFFF  }
tec
execute0_lowered:
.L_overlay_start_1:
0x0: {  	(tag) =	ssettag $0x1  }
0x1: {  	s1 =	srdreg.scid  }
0x2: {  	s0 =	stileid.u32;
	s6 =	rddreg [dreg:$0x0]  }
0x3: {  	s2 =	simm.s32 $0x0;
	s12 =	simm.s32 $0x1880;
	s13 =	simm.s32 $0x80  }
0x4: {  	s14 =	simm.s32 $0x3100;
	s15 =	simm.s32 $0x7100;
	s16 =	simm.s32 $0xB100  }
0x5: {  	s17 =	simm.s32 $0xF100;
	s18 =	simm.s32 $0x1;
	s19 =	simm.s32 $0x13100  }
0x6: {  	s20 =	simm.s32 $0x2;
	s7 =	sand.u32 $0x1, s1;
	s3 =	sshll.u32 s0, $0x1  }
0x7: {  	s21 =	simm.s32 $0x13180;
	s1 =	rddreg [dreg:$0x1];
	s3 =	sor.u32 s7, s3  }
0x8: {  	s22 =	simm.s32 $0x0;
	[smem:$0x7FF] =	sst s2;
	s3 =	smul.u32 $0x1880, s3  }
0x9: {  	s4 =	sadd.s32 $0x19D000, s6;
	s5 =	sadd.s32 $0x16600, s6;
	s7 =	ssub.s32 $0x2, s7  }
0xa: {  	_ =	strace $0x8000004A;
	s10 =	sshrl.u32 s7, $0x1;
	s8 =	sshrl.u32 s3, $0x3  }
0xb: {  	s10 =	ssub.s32 s7, s10;
	s9 =	sadd.s32 s8, s6;
	s6 =	sadd.s32 $0x7000, s6  }
0xc: {  	s10 =	smax.u32 s10, $0x1;
	s7 =	sadd.s32 $0xE00, s9;
	s11 =	sadd.s32 s6, s8  }
0xd: {  	s8 =	sadd.s32 $0x10400, s9;
	s9 =	sadd.s32 $0x300, s11;
	s11 =	simm.s32 $0x3  }
.LBB2_1:
0xe: {  	[tilespmem:s2], [sflag:$0x3] =	stream.linear.gather [hbm4b:s7+s2], $0x1880, $0x38;
	[tilespmem:$0x13200] =	vst v63  }
0xf: {  	_ =	swait.ge [sflag:s11], $0x1880  }
0x10: {  	[sflag:s11] =	ssyncset.done $0x0  }
0x11: {  	[sflag:s11] =	ssyncadd.s32 $0xFFFFE780  }
0x12: {  	[tilespmem:s12], [sflag:$0x3] =	stream.linear.gather [hbm4b:s8+s2], $0x1880, $0x38;
	[tilespmem:$0x13200] =	vst v63  }
0x13: {  	_ =	swait.ge [sflag:s11], $0x1880  }
0x14: {  	[sflag:s11] =	ssyncset.done $0x0  }
0x15: {  	[sflag:s11] =	ssyncadd.s32 $0xFFFFE780  }
0x16: {  	[tilespmem:s14], [sflag:$0x1] =	stream.indirect.gather [hbm4b:s4+s13], $0x80, s2, s13, $0xb8;
	[tilespmem:$0x13200] =	vst v63  }
0x17: {  	s23 =	simm.s32 $0x0  }
0x18: {  	[tilespmem:s15], [sflag:$0x1] =	stream.indirect.gather [hbm4b:s5+s13], $0x80, s12, s13, $0xb8;
	[tilespmem:$0x13200] =	vst v63  }
.LBB2_2:
0x19: {  	s25 =	sshll.u32 s23, $0x8  }
0x1a: {  	s24 =	sor.u32 $0x80, s25  }
0x1b: {  	[tilespmem:s16], [sflag:$0x2] =	stream.indirect.gather [hbm4b:s4+s13], $0x80, s24, s13, $0xb8;
	[tilespmem:$0x13200] =	vst v63  }
0x1c: {  	s26 =	sadd.s32 $0x1900, s25  }
0x1d: {  	[tilespmem:s17], [sflag:$0x2] =	stream.indirect.gather [hbm4b:s5+s13], $0x80, s26, s13, $0xb8;
	[tilespmem:$0x13200] =	vst v63  }
0x1e: {  	_ =	swait.ge [sflag:s18], $0x4000  }
0x1f: {  	[sflag:s18] =	ssyncset.done $0x0  }
0x20: {  	[sflag:s18] =	ssyncadd.s32 $0xFFFFC000  }
0x21: {  	_ =	swait.ge [sflag:s18], $0x4000  }
0x22: {  	[sflag:s18] =	ssyncset.done $0x0  }
0x23: {  	s28 =	simm.s32 $0x7140;
	[sflag:s18] =	ssyncadd.s32 $0xFFFFC000  }
0x24: {  	s29 =	simm.s32 $0x3140;
	v0 =	vld [tilespmem:s28+$0xFFFFFFC0]  }
0x25: {  	v1 =	vld [tilespmem:s29+$0xFFFFFFC0]  }
0x26: {  	v2 =	vld [tilespmem:s29+$0xFFFFFFD0]  }
0x27: {  	s30 =	simm.s32 $0x1;
	s26 =	simm.s32 $0x0;
	v3 =	vld [tilespmem:s28+$0xFFFFFFD0]  }
.LBB2_3:
0x28: {  	p0 =	sne.s32 s30, $0x7F;
	v4 =	vld [tilespmem:s29+$0xFFFFFFE0]  }
0x29: {  	v5 =	vld [tilespmem:s28+$0xFFFFFFE0]  }
0x2a: {  	v6 =	vld [tilespmem:s29+$0xFFFFFFF0]  }
0x2b: {  	v7 =	vld [tilespmem:s28+$0xFFFFFFF0]  }
0x2c: {  	v0 =	vmul.f32 v0, v1;
	v1 =	vmul.f32 v3, v2;
	v2 =	vld [tilespmem:s29+$0x0]  }
0x2d: {  	v3 =	vld [tilespmem:s28+$0x0]  }
0x2e: {  	v0 =	vadd.f32 v1, v0;
	v1 =	vmul.f32 v5, v4;
	v4 =	vld [tilespmem:s29+$0x10]  }
0x2f: {  	v5 =	vld [tilespmem:s28+$0x10]  }
0x30: {  	v0 =	vadd.f32 v1, v0;
	v1 =	vmul.f32 v7, v6;
	v6 =	vld [tilespmem:s29+$0x20]  }
0x31: {  	v7 =	vld [tilespmem:s28+$0x20]  }
0x32: {  	v0 =	vadd.f32 v1, v0;
	v1 =	vmul.f32 v3, v2;
	v2 =	vld [tilespmem:s29+$0x30]  }
0x33: {  	v3 =	vld [tilespmem:s28+$0x30]  }
0x34: {  	v0 =	vadd.f32 v1, v0;
	v1 =	vmul.f32 v5, v4;
	_ =	sdelay $0x1  }
0x35: {  	v0 =	vadd.f32 v1, v0;
	v1 =	vmul.f32 v7, v6;
	_ =	sdelay $0x1  }
0x36: {  	v0 =	vadd.f32 v1, v0;
	v1 =	vmul.f32 v3, v2;
	_ =	sdelay $0x1  }
0x37: {  	v0 =	vadd.f32 v1, v0;
	_ =	sdelay $0x1  }
0x38: {  	(xrf2) =	vadd.scan.msk.f32 $0xffff, v0;
	_ =	sdelay $0x7  }
0x39: {  	v0 =	vmov s26;
	s26 =	smov.u32 s30;
	_ =	sdelay $0x1  }
0x3a: {  	v1, _, _ =	vpop (xrf2)  }
0x3b: {  	v1 =	vbroadcast v1, $0xF;
	_ =	sdelay $0x1  }
.Ltmp0:
0x3c: {  	s28 =	sadd.s32 $0x80, s28;
	[tilespmem:v0+s19+$0x0] =	vst.idx.msk $0x1, v1;
	(pc) =	sbr.rel @p0 .LBB2_3-.Ltmp0, $4  }
0x3d: {  	s29 =	sadd.s32 $0x80, s29;
	v0 =	vld [tilespmem:s28+$0xFFFFFFC0]  }
0x3e: {  	v1 =	vld [tilespmem:s29+$0xFFFFFFC0]  }
0x3f: {  	v2 =	vld [tilespmem:s29+$0xFFFFFFD0]  }
0x40: {  	s30 =	sadd.s32 $0x1, s30;
	v3 =	vld [tilespmem:s28+$0xFFFFFFD0]  }
0x41: {  	v4 =	vld [tilespmem:s29+$0xFFFFFFE0]  }
0x42: {  	v5 =	vld [tilespmem:s28+$0xFFFFFFE0]  }
0x43: {  	v6 =	vld [tilespmem:s29+$0xFFFFFFF0]  }
0x44: {  	v7 =	vld [tilespmem:s28+$0xFFFFFFF0]  }
0x45: {  	v0 =	vmul.f32 v0, v1;
	v1 =	vmul.f32 v3, v2;
	v2 =	vld [tilespmem:s29+$0x0]  }
0x46: {  	v3 =	vld [tilespmem:s28+$0x0]  }
0x47: {  	v0 =	vadd.f32 v1, v0;
	v1 =	vmul.f32 v5, v4;
	v4 =	vld [tilespmem:s29+$0x10]  }
0x48: {  	v5 =	vld [tilespmem:s28+$0x10]  }
0x49: {  	v62 =	vld [tilespmem:s29+$0x20];
	v0 =	vadd.f32 v1, v0;
	v1 =	vmul.f32 v7, v6  }
0x4a: {  	v63 =	vld [tilespmem:s28+$0x20]  }
0x4b: {  	v0 =	vadd.f32 v1, v0;
	v1 =	vmul.f32 v3, v2;
	v2 =	vld [tilespmem:s29+$0x30]  }
0x4c: {  	v3 =	vld [tilespmem:s28+$0x30]  }
0x4d: {  	v0 =	vadd.f32 v1, v0;
	v1 =	vmul.f32 v5, v4;
	_ =	sdelay $0x1  }
0x4e: {  	v0 =	vadd.f32 v1, v0;
	v1 =	vmul.f32 v63, v62;
	_ =	sdelay $0x1  }
0x4f: {  	v0 =	vadd.f32 v1, v0;
	v1 =	vmul.f32 v3, v2;
	_ =	sdelay $0x1  }
0x50: {  	v0 =	vadd.f32 v1, v0;
	_ =	sdelay $0x1  }
0x51: {  	(xrf2) =	vadd.scan.msk.f32 $0xffff, v0;
	_ =	sdelay $0x7  }
0x52: {  	v0 =	vmov s26;
	_ =	sdelay $0x1  }
0x53: {  	v1, _, _ =	vpop (xrf2)  }
0x54: {  	s30 =	sadd.s32 s3, s25;
	v1 =	vbroadcast v1, $0xF  }
0x55: {  	s26 =	sshrl.u32 s30, $0x3  }
0x56: {  	s28 =	sadd.s32 s6, s26;
	s26 =	simm.s32 $0x0;
	[tilespmem:v0+s19+$0x0] =	vst.idx.msk $0x1, v1  }
0x57: {  	[hbm4b:s28+s26] =	stream.linear.scatter [tilespmem:s19], [sflag:$0x3], $0x80, $0x38;
	[tilespmem:$0x13200] =	vst v63  }
0x58: {  	_ =	swait.ge [sflag:s11], $0x80  }
0x59: {  	[sflag:s11] =	ssyncset.done $0x0  }
0x5a: {  	s28 =	sadd.s32 $0x100, s25;
	[sflag:s11] =	ssyncadd.s32 $0xFFFFFF80  }
0x5b: {  	[tilespmem:s14], [sflag:$0x1] =	stream.indirect.gather [hbm4b:s4+s13], $0x80, s28, s13, $0xb8;
	[tilespmem:$0x13200] =	vst v63  }
0x5c: {  	s31 =	sadd.s32 $0x1980, s25  }
0x5d: {  	[tilespmem:s15], [sflag:$0x1] =	stream.indirect.gather [hbm4b:s5+s13], $0x80, s31, s13, $0xb8;
	[tilespmem:$0x13200] =	vst v63  }
0x5e: {  	_ =	swait.ge [sflag:s20], $0x4000  }
0x5f: {  	[sflag:s20] =	ssyncset.done $0x0  }
0x60: {  	[sflag:s20] =	ssyncadd.s32 $0xFFFFC000  }
0x61: {  	_ =	swait.ge [sflag:s20], $0x4000  }
0x62: {  	[sflag:s20] =	ssyncset.done $0x0  }
0x63: {  	s25 =	simm.s32 $0xF140;
	[sflag:s20] =	ssyncadd.s32 $0xFFFFC000  }
0x64: {  	s28 =	simm.s32 $0xB140;
	v0 =	vld [tilespmem:s25+$0xFFFFFFC0]  }
0x65: {  	v1 =	vld [tilespmem:s28+$0xFFFFFFC0]  }
0x66: {  	v2 =	vld [tilespmem:s28+$0xFFFFFFD0]  }
0x67: {  	s29 =	simm.s32 $0x1;
	v3 =	vld [tilespmem:s25+$0xFFFFFFD0]  }
.LBB2_5:
0x68: {  	p0 =	sne.s32 s29, $0x7F;
	v4 =	vld [tilespmem:s28+$0xFFFFFFE0]  }
0x69: {  	v5 =	vld [tilespmem:s25+$0xFFFFFFE0]  }
0x6a: {  	v6 =	vld [tilespmem:s28+$0xFFFFFFF0]  }
0x6b: {  	v7 =	vld [tilespmem:s25+$0xFFFFFFF0]  }
0x6c: {  	v0 =	vmul.f32 v0, v1;
	v1 =	vmul.f32 v3, v2;
	v2 =	vld [tilespmem:s28+$0x0]  }
0x6d: {  	v3 =	vld [tilespmem:s25+$0x0]  }
0x6e: {  	v0 =	vadd.f32 v1, v0;
	v1 =	vmul.f32 v5, v4;
	v4 =	vld [tilespmem:s28+$0x10]  }
0x6f: {  	v5 =	vld [tilespmem:s25+$0x10]  }
0x70: {  	v0 =	vadd.f32 v1, v0;
	v1 =	vmul.f32 v7, v6;
	v6 =	vld [tilespmem:s28+$0x20]  }
0x71: {  	v7 =	vld [tilespmem:s25+$0x20]  }
0x72: {  	v0 =	vadd.f32 v1, v0;
	v1 =	vmul.f32 v3, v2;
	v2 =	vld [tilespmem:s28+$0x30]  }
0x73: {  	v3 =	vld [tilespmem:s25+$0x30]  }
0x74: {  	v0 =	vadd.f32 v1, v0;
	v1 =	vmul.f32 v5, v4;
	_ =	sdelay $0x1  }
0x75: {  	v0 =	vadd.f32 v1, v0;
	v1 =	vmul.f32 v7, v6;
	_ =	sdelay $0x1  }
0x76: {  	v0 =	vadd.f32 v1, v0;
	v1 =	vmul.f32 v3, v2;
	_ =	sdelay $0x1  }
0x77: {  	v0 =	vadd.f32 v1, v0;
	_ =	sdelay $0x1  }
0x78: {  	(xrf2) =	vadd.scan.msk.f32 $0xffff, v0;
	_ =	sdelay $0x7  }
0x79: {  	v0 =	vmov s26;
	s26 =	smov.u32 s29;
	_ =	sdelay $0x1  }
0x7a: {  	v1, _, _ =	vpop (xrf2)  }
0x7b: {  	v1 =	vbroadcast v1, $0xF;
	_ =	sdelay $0x1  }
.Ltmp1:
0x7c: {  	s25 =	sadd.s32 $0x80, s25;
	[tilespmem:v0+s21+$0x0] =	vst.idx.msk $0x1, v1;
	(pc) =	sbr.rel @p0 .LBB2_5-.Ltmp1, $4  }
0x7d: {  	s28 =	sadd.s32 $0x80, s28;
	v0 =	vld [tilespmem:s25+$0xFFFFFFC0]  }
0x7e: {  	v1 =	vld [tilespmem:s28+$0xFFFFFFC0]  }
0x7f: {  	v2 =	vld [tilespmem:s28+$0xFFFFFFD0]  }
0x80: {  	s29 =	sadd.s32 $0x1, s29;
	v3 =	vld [tilespmem:s25+$0xFFFFFFD0]  }
0x81: {  	v4 =	vld [tilespmem:s28+$0xFFFFFFE0]  }
0x82: {  	v5 =	vld [tilespmem:s25+$0xFFFFFFE0]  }
0x83: {  	v6 =	vld [tilespmem:s28+$0xFFFFFFF0]  }
0x84: {  	v7 =	vld [tilespmem:s25+$0xFFFFFFF0]  }
0x85: {  	v48 =	vld [tilespmem:s28+$0x0];
	v0 =	vmul.f32 v0, v1;
	v47 =	vmul.f32 v3, v2  }
0x86: {  	v49 =	vld [tilespmem:s25+$0x0]  }
0x87: {  	v51 =	vld [tilespmem:s28+$0x10];
	v50 =	vmul.f32 v5, v4;
	v0 =	vadd.f32 v47, v0  }
0x88: {  	v52 =	vld [tilespmem:s25+$0x10]  }
0x89: {  	v54 =	vld [tilespmem:s28+$0x20];
	v53 =	vmul.f32 v7, v6;
	v0 =	vadd.f32 v50, v0  }
0x8a: {  	v55 =	vld [tilespmem:s25+$0x20]  }
0x8b: {  	v57 =	vld [tilespmem:s28+$0x30];
	v56 =	vmul.f32 v49, v48;
	v0 =	vadd.f32 v53, v0  }
0x8c: {  	v58 =	vld [tilespmem:s25+$0x30]  }
0x8d: {  	v59 =	vmul.f32 v52, v51;
	v0 =	vadd.f32 v56, v0;
	_ =	sdelay $0x1  }
0x8e: {  	v60 =	vmul.f32 v55, v54;
	v0 =	vadd.f32 v59, v0;
	_ =	sdelay $0x1  }
0x8f: {  	v61 =	vmul.f32 v58, v57;
	v0 =	vadd.f32 v60, v0;
	_ =	sdelay $0x1  }
0x90: {  	v0 =	vadd.f32 v61, v0;
	_ =	sdelay $0x1  }
0x91: {  	(xrf2) =	vadd.scan.msk.f32 $0xffff, v0;
	_ =	sdelay $0x7  }
0x92: {  	v62 =	vmov s26;
	_ =	sdelay $0x1  }
0x93: {  	v63, _, _ =	vpop (xrf2)  }
0x94: {  	s24 =	sadd.s32 s3, s24;
	s23 =	sadd.s32 $0x1, s23;
	v1 =	vbroadcast v63, $0xF  }
0x95: {  	s24 =	sshrl.u32 s24, $0x3;
	p0 =	sne.s32 s23, $0x18  }
.Ltmp2:
0x96: {  	s24 =	sadd.s32 s6, s24;
	[tilespmem:v62+s21+$0x0] =	vst.idx.msk $0x1, v1;
	(pc) =	sbr.rel @p0 .LBB2_2-.Ltmp2, $4  }
0x97: {  	[hbm4b:s24+s2] =	stream.linear.scatter [tilespmem:s21], [sflag:$0x3], $0x80, $0x38;
	[tilespmem:$0x13200] =	vst v63  }
0x98: {  	_ =	swait.ge [sflag:s11], $0x80  }
0x99: {  	[sflag:s11] =	ssyncset.done $0x0  }
0x9a: {  	[sflag:s11] =	ssyncadd.s32 $0xFFFFFF80  }
0x9b: {  	_ =	swait.ge [sflag:s18], $0x4000  }
0x9c: {  	[sflag:s18] =	ssyncset.done $0x0  }
0x9d: {  	[sflag:s18] =	ssyncadd.s32 $0xFFFFC000  }
0x9e: {  	_ =	swait.ge [sflag:s18], $0x4000  }
0x9f: {  	[sflag:s18] =	ssyncset.done $0x0  }
0xa0: {  	s24 =	simm.s32 $0x7140;
	[sflag:s18] =	ssyncadd.s32 $0xFFFFC000  }
0xa1: {  	s25 =	simm.s32 $0x3140;
	v0 =	vld [tilespmem:s24+$0xFFFFFFC0]  }
0xa2: {  	v1 =	vld [tilespmem:s25+$0xFFFFFFC0]  }
0xa3: {  	v2 =	vld [tilespmem:s25+$0xFFFFFFD0]  }
0xa4: {  	s23 =	simm.s32 $0x0;
	s26 =	simm.s32 $0x1;
	v3 =	vld [tilespmem:s24+$0xFFFFFFD0]  }
.LBB2_8:
0xa5: {  	p0 =	sne.s32 s26, $0x7F;
	v4 =	vld [tilespmem:s25+$0xFFFFFFE0]  }
0xa6: {  	v5 =	vld [tilespmem:s24+$0xFFFFFFE0]  }
0xa7: {  	v6 =	vld [tilespmem:s25+$0xFFFFFFF0]  }
0xa8: {  	v7 =	vld [tilespmem:s24+$0xFFFFFFF0]  }
0xa9: {  	v0 =	vmul.f32 v0, v1;
	v1 =	vmul.f32 v3, v2;
	v2 =	vld [tilespmem:s25+$0x0]  }
0xaa: {  	v3 =	vld [tilespmem:s24+$0x0]  }
0xab: {  	v0 =	vadd.f32 v1, v0;
	v1 =	vmul.f32 v5, v4;
	v4 =	vld [tilespmem:s25+$0x10]  }
0xac: {  	v5 =	vld [tilespmem:s24+$0x10]  }
0xad: {  	v0 =	vadd.f32 v1, v0;
	v1 =	vmul.f32 v7, v6;
	v6 =	vld [tilespmem:s25+$0x20]  }
0xae: {  	v7 =	vld [tilespmem:s24+$0x20]  }
0xaf: {  	v0 =	vadd.f32 v1, v0;
	v1 =	vmul.f32 v3, v2;
	v2 =	vld [tilespmem:s25+$0x30]  }
0xb0: {  	v3 =	vld [tilespmem:s24+$0x30]  }
0xb1: {  	v0 =	vadd.f32 v1, v0;
	v1 =	vmul.f32 v5, v4;
	_ =	sdelay $0x1  }
0xb2: {  	v0 =	vadd.f32 v1, v0;
	v1 =	vmul.f32 v7, v6;
	_ =	sdelay $0x1  }
0xb3: {  	v0 =	vadd.f32 v1, v0;
	v1 =	vmul.f32 v3, v2;
	_ =	sdelay $0x1  }
0xb4: {  	v0 =	vadd.f32 v1, v0;
	_ =	sdelay $0x1  }
0xb5: {  	(xrf2) =	vadd.scan.msk.f32 $0xffff, v0;
	_ =	sdelay $0x7  }
0xb6: {  	v0 =	vmov s23;
	s23 =	smov.u32 s26;
	_ =	sdelay $0x1  }
0xb7: {  	v1, _, _ =	vpop (xrf2)  }
0xb8: {  	v1 =	vbroadcast v1, $0xF;
	_ =	sdelay $0x1  }
.Ltmp3:
0xb9: {  	s24 =	sadd.s32 $0x80, s24;
	[tilespmem:v0+s19+$0x0] =	vst.idx.msk $0x1, v1;
	(pc) =	sbr.rel @p0 .LBB2_8-.Ltmp3, $4  }
0xba: {  	s25 =	sadd.s32 $0x80, s25;
	v0 =	vld [tilespmem:s24+$0xFFFFFFC0]  }
0xbb: {  	v1 =	vld [tilespmem:s25+$0xFFFFFFC0]  }
0xbc: {  	v2 =	vld [tilespmem:s25+$0xFFFFFFD0]  }
0xbd: {  	s26 =	sadd.s32 $0x1, s26;
	v3 =	vld [tilespmem:s24+$0xFFFFFFD0]  }
0xbe: {  	v4 =	vld [tilespmem:s25+$0xFFFFFFE0]  }
0xbf: {  	v5 =	vld [tilespmem:s24+$0xFFFFFFE0]  }
0xc0: {  	v6 =	vld [tilespmem:s25+$0xFFFFFFF0]  }
0xc1: {  	v7 =	vld [tilespmem:s24+$0xFFFFFFF0]  }
0xc2: {  	v48 =	vld [tilespmem:s25+$0x0];
	v0 =	vmul.f32 v0, v1;
	v47 =	vmul.f32 v3, v2  }
0xc3: {  	v49 =	vld [tilespmem:s24+$0x0]  }
0xc4: {  	v51 =	vld [tilespmem:s25+$0x10];
	v50 =	vmul.f32 v5, v4;
	v0 =	vadd.f32 v47, v0  }
0xc5: {  	v52 =	vld [tilespmem:s24+$0x10]  }
0xc6: {  	v54 =	vld [tilespmem:s25+$0x20];
	v53 =	vmul.f32 v7, v6;
	v0 =	vadd.f32 v50, v0  }
0xc7: {  	v55 =	vld [tilespmem:s24+$0x20]  }
0xc8: {  	v57 =	vld [tilespmem:s25+$0x30];
	v56 =	vmul.f32 v49, v48;
	v0 =	vadd.f32 v53, v0  }
0xc9: {  	v58 =	vld [tilespmem:s24+$0x30]  }
0xca: {  	v59 =	vmul.f32 v52, v51;
	v0 =	vadd.f32 v56, v0;
	_ =	sdelay $0x1  }
0xcb: {  	v60 =	vmul.f32 v55, v54;
	v0 =	vadd.f32 v59, v0;
	_ =	sdelay $0x1  }
0xcc: {  	v61 =	vmul.f32 v58, v57;
	v0 =	vadd.f32 v60, v0;
	_ =	sdelay $0x1  }
0xcd: {  	v0 =	vadd.f32 v61, v0;
	_ =	sdelay $0x1  }
0xce: {  	(xrf2) =	vadd.scan.msk.f32 $0xffff, v0;
	_ =	sdelay $0x7  }
0xcf: {  	v62 =	vmov s23;
	_ =	sdelay $0x1  }
0xd0: {  	v63, _, _ =	vpop (xrf2)  }
0xd1: {  	s22 =	sadd.s32 $0x1, s22;
	v1 =	vbroadcast v63, $0xF  }
0xd2: {  	p0 =	sne.s32 s22, s10  }
.Ltmp4:
0xd3: {  	[tilespmem:v62+s19+$0x0] =	vst.idx.msk $0x1, v1;
	(pc) =	sbr.rel @p0 .LBB2_1-.Ltmp4, $4  }
0xd4: {  	[hbm4b:s9+s2] =	stream.linear.scatter [tilespmem:s19], [sflag:$0x3], $0x80, $0x38;
	[tilespmem:$0x13200] =	vst v63  }
0xd5: {  	_ =	swait.ge [sflag:s11], $0x80  }
0xd6: {  	[sflag:s11] =	ssyncset.done $0x0  }
0xd7: {  	[sflag:s11] =	ssyncadd.s32 $0xFFFFFF80  }
0xd8: {  	_ =	sfence.sel $0x180000  }
0xd9: {  	[bflag:$0x0] =	sbarrier.arrive $0xFFFF  }
0xda: {  	p0 =	sne.s32 s0, $0x0;
	_ =	strace $0x9000004A  }
0xdb: {  	s0 =	sadd.s32 @!p0 $0x100000, s1;
	[bflag:$0x2] =	sbarrier.arrive $0xFFFF  }
0xdc: {  	[sflag:s0] =	ssyncadd.tile.s32 @!p0 $0x1;
	_ =	shalt  }
.Lfunc_end2:
_tile_overlayer_lowered:
.L_overlay_start_2:
0xdd: {  	(tag) =	ssettag $0x2  }
0xde: {  	s0 =	rddreg [dreg:$0x0];
	s2 =	stileid.u32  }
0xdf: {  	s1 =	rddreg [dreg:$0x1];
	p0 =	sne.s32 s2, $0x0  }
0xe0: {  	s3 =	rddreg [dreg:$0x2];
	[bflag:$0x3] =	sbarrier.arrive $0xFFFF;
	s2 =	simm.s32 @!p0 $0x1C03  }
0xe1: {  	[timem:s3], [sflag:s2] =	dma.local @!p0 [hbm:s0], s1  }
0xe2: {  	s0 =	simm.s32 @!p0 $0x3  }
0xe3: {  	_ =	swait.ge @!p0 [sflag:s0], s1  }
0xe4: {  	s1 =	ssub.s32 @!p0 $0x0, s1;
	[sflag:s0] =	ssyncset.done @!p0 $0x0  }
0xe5: {  	[sflag:s0] =	ssyncadd.s32 @!p0 s1  }
0xe6: {  	[bflag:$0x3] =	sbarrier.arrive $0xFFFF  }
0xe7: {  	_ =	shalt  }

// kernel: kernel.8.cloned.1.call-start
scs
__scs_entry_jumppad:
0x0: {  	(pc) =	sbr.rel $0x88, $3  }
0x1: {  	(tag) =	ssettag $0x0;
	lr =	simm.s32 $0x1  }
0x2: {  	[smem:$0x3F9C] =	sst lr;
	_ =	strace $0xD0000000  }
0x3: {  	_ = 	snop  }
0x4: {  	_ = 	snop  }
0x5: {  	_ = 	snop  }
0x6: {  	_ = 	snop  }
0x7: {  	_ = 	snop  }
__scs_overlays_trampoline_lowered:
0x8: {  	[smem:$0x3FAB] =	sst s0  }
0x9: {  	[smem:$0x3FAC] =	sst s1  }
0xa: {  	[smem:$0x3FAD] =	sst s2  }
0xb: {  	[smem:$0x3FAE] =	sst s3  }
0xc: {  	[smem:$0x3FAF] =	sst s4  }
0xd: {  	[smem:$0x3FB0] =	sst s5  }
0xe: {  	[smem:$0x3FB1] =	sst s6  }
0xf: {  	[smem:$0x3FB2] =	sst s7  }
0x10: {  	[smem:$0x3FB3] =	sst s8  }
0x11: {  	[smem:$0x3FB4] =	sst s9;
	s0 =	simm.s32 @!p0 $0x0  }
0x12: {  	s1 =	sld [smem:$0x3F9A];
	s0 =	simm.s32 @p0 $0x1  }
0x13: {  	[smem:$0x3FB5] =	sst s0;
	s0 =	simm.s32 @!p1 $0x0  }
0x14: {  	s2 =	sld [smem:$0x3F99];
	s0 =	simm.s32 @p1 $0x1  }
0x15: {  	[smem:$0x3FB6] =	sst s0;
	s0 =	simm.s32 @!p2 $0x0  }
0x16: {  	s3 =	sld [smem:$0x3FDB];
	s0 =	simm.s32 @p2 $0x1  }
0x17: {  	s4 =	simm.s32 $0x1BF5;
	[smem:$0x3FB8] =	sst s0  }
0x18: {  	s0 =	sld [smem:$0x3F9B];
	_ =	swait.ge [sflag:s4], $0x0  }
0x19: {  	s7 =	sld [smem:$0x3F9C]  }
0x1a: {  	s8 =	sadd.s32 $0xFFFFE003, lr  }
0x1b: {  	s9 =	sadd.s32 $0xFFFFFEF7, lr;
	s5 =	simm.s32 $0xFFFFFFFF;
	p2 =	slt.u32 s8, $0xFFFFF086  }
0x1c: {  	p1 =	slt.u32 s9, $0xF7A;
	s5 =	simm.s32 @!p2 $0x0  }
0x1d: {  	s5 =	simm.s32 @p1 $0x1;
	p0 =	seq.s32 s7, s2  }
0x1e: {  	s7 =	smul.u32 @!p0 $0xF7A, s2;
	p2 =	seq.s32 @!p0 s5, $0x0  }
0x1f: {  	s9 =	smul.u32 $0xF7A, s1;
	s8 =	simm.s32 @!p0 $0x1BF5;
	p2 =	por !p2, p0  }
0x20: {  	[sflag:s8] =	ssyncset.s32 @!p0 $0xFFFFF086;
	s6 =	sadd.s32 @!p0 s3, s7;
	s7 =	simm.s32 @!p0 $0x108  }
0x21: {  	s3 =	sadd.s32 s3, s9;
	s6 =	sadd.s32 @!p0 $0x88, s6;
	s7 =	simm.s32 @p2 $0x1082  }
0x22: {  	[simem:s7], [sflag:s8] =	dma.local @!p0 [hbm:s6], $0xF7A  }
0x23: {  	s9 =	sor.u32 $0xD0000000, s2;
	s6 =	simm.s32 $0x108;
	_ =	swait.ge @!p0 [sflag:s8], $0x0  }
0x24: {  	s3 =	sadd.s32 $0x88, s3;
	s6 =	simm.s32 @!p1 $0x1082;
	[sflag:s4] =	ssyncset.s32 $0xFFFFF086  }
0x25: {  	[simem:s6], [sflag:s4] =	dma.local [hbm:s3], $0xF7A  }
0x26: {  	[smem:$0x3F9C] =	sst s1;
	(tag) =	ssettag s2;
	_ =	strace s9  }
0x27: {  	s1 =	sld [smem:$0x3FAC]  }
0x28: {  	s2 =	sld [smem:$0x3FAD]  }
0x29: {  	s4 =	sld [smem:$0x3FAF]  }
0x2a: {  	p0 =	seq.s32 s5, $0x0;
	s5 =	sld [smem:$0x3FB0]  }
0x2b: {  	s6 =	sld [smem:$0x3FB1]  }
0x2c: {  	s7 =	sld [smem:$0x3FB2]  }
0x2d: {  	s3 =	simm.s32 $0x108;
	s8 =	sld [smem:$0x3FB3]  }
0x2e: {  	s3 =	simm.s32 @!p0 $0x1082;
	s9 =	sld [smem:$0x3FB4]  }
0x2f: {  	lr =	sadd.s32 s0, s3;
	s0 =	sld [smem:$0x3FAB]  }
0x30: {  	s3 =	sld [smem:$0x3FAE]  }
0x31: {  	[smem:$0x3FB7] =	sst s10  }
0x32: {  	s10 =	sld [smem:$0x3FB5];
	_ =	sdelay $0x3  }
0x33: {  	p0 =	seq.s32 s10, $0x1;
	s10 =	sld [smem:$0x3FB7];
	_ =	sdelay $0x3  }
0x34: {  	[smem:$0x3FB7] =	sst s10  }
0x35: {  	s10 =	sld [smem:$0x3FB6];
	_ =	sdelay $0x3  }
0x36: {  	p1 =	seq.s32 s10, $0x1;
	s10 =	sld [smem:$0x3FB7];
	_ =	sdelay $0x3  }
0x37: {  	[smem:$0x3FB7] =	sst s10  }
0x38: {  	s10 =	sld [smem:$0x3FB8]  }
0x39: {  	_ = 	snop;
	(pc) =	sbr.ind lr, $3  }
0x3a: {  	_ = 	snop  }
0x3b: {  	_ = 	snop  }
0x3c: {  	p2 =	seq.s32 s10, $0x1;
	s10 =	sld [smem:$0x3FB7]  }
0x3d: {  	_ =	shalt  }
0x3e: {  	_ =	shalt  }
0x3f: {  	_ =	shalt  }
0x40: {  	_ =	shalt  }
0x41: {  	_ =	shalt  }
0x42: {  	_ =	shalt  }
0x43: {  	_ =	shalt  }
0x44: {  	_ =	shalt  }
0x45: {  	_ =	shalt  }
0x46: {  	_ =	shalt  }
0x47: {  	_ =	shalt  }
0x48: {  	_ =	shalt  }
0x49: {  	_ =	shalt  }
0x4a: {  	_ =	shalt  }
0x4b: {  	_ =	shalt  }
0x4c: {  	_ =	shalt  }
0x4d: {  	_ =	shalt  }
0x4e: {  	_ =	shalt  }
0x4f: {  	_ =	shalt  }
0x50: {  	_ =	shalt  }
0x51: {  	_ =	shalt  }
0x52: {  	_ =	shalt  }
0x53: {  	_ =	shalt  }
0x54: {  	_ =	shalt  }
0x55: {  	_ =	shalt  }
0x56: {  	_ =	shalt  }
0x57: {  	_ =	shalt  }
0x58: {  	_ =	shalt  }
0x59: {  	_ =	shalt  }
0x5a: {  	_ =	shalt  }
0x5b: {  	_ =	shalt  }
0x5c: {  	_ =	shalt  }
0x5d: {  	_ =	shalt  }
0x5e: {  	_ =	shalt  }
0x5f: {  	_ =	shalt  }
0x60: {  	_ =	shalt  }
0x61: {  	_ =	shalt  }
0x62: {  	_ =	shalt  }
0x63: {  	_ =	shalt  }
0x64: {  	_ =	shalt  }
0x65: {  	_ =	shalt  }
0x66: {  	_ =	shalt  }
0x67: {  	_ =	shalt  }
0x68: {  	_ =	shalt  }
0x69: {  	_ =	shalt  }
0x6a: {  	_ =	shalt  }
0x6b: {  	_ =	shalt  }
0x6c: {  	_ =	shalt  }
0x6d: {  	_ =	shalt  }
0x6e: {  	_ =	shalt  }
0x6f: {  	_ =	shalt  }
0x70: {  	_ =	shalt  }
0x71: {  	_ =	shalt  }
0x72: {  	_ =	shalt  }
0x73: {  	_ =	shalt  }
0x74: {  	_ =	shalt  }
0x75: {  	_ =	shalt  }
0x76: {  	_ =	shalt  }
0x77: {  	_ =	shalt  }
0x78: {  	_ =	shalt  }
0x79: {  	_ =	shalt  }
0x7a: {  	_ =	shalt  }
0x7b: {  	_ =	shalt  }
0x7c: {  	_ =	shalt  }
0x7d: {  	_ =	shalt  }
0x7e: {  	_ =	shalt  }
0x7f: {  	_ =	shalt  }
0x80: {  	_ =	shalt  }
0x81: {  	_ =	shalt  }
0x82: {  	_ =	shalt  }
0x83: {  	_ =	shalt  }
0x84: {  	_ =	shalt  }
0x85: {  	_ =	shalt  }
0x86: {  	_ =	shalt  }
0x87: {  	_ =	shalt  }
.Lfunc_end0:
.L_simem_size_0:
called_computation_lowered:
.L_overlay_start_0:
0x88: {  	s2 =	sld [smem:$0x3FD9]  }
0x89: {  	s3 =	sld [smem:$0x3FFE];
	_ =	sdelay $0x1  }
0x8a: {  	s1 =	srdreg.scid  }
0x8b: {  	s0 =	sand.u32 $0x1, s1  }
0x8c: {  	s14 =	sshll.u32 s0, $0xA;
	s2 =	sadd.s32 s3, s2  }
0x8d: {  	s2 =	sadd.s32 s2, s14  }
0x8e: {  	[smem:$0x3FC3] =	sst s2  }
0x8f: {  	_ = 	snop  }
0x90: {  	s2 =	sld [smem:$0x3FD0];
	_ =	sdelay $0x2  }
0x91: {  	s15 =	simm.s32 $0xA;
	s4 =	simm.s32 $0x10  }
0x92: {  	[smem:s4], [sflag:s15] =	dma.local [hbm:s2], $0x1  }
0x93: {  	_ =	swait.eq [sflag:s15], $0x1  }
0x94: {  	[sflag:s15] =	ssyncset.done $0x0  }
0x95: {  	[sflag:s15] =	ssyncadd.s32 $0xFFFFFFFF  }
0x96: {  	s16 =	sld [smem:$0x11];
	(tm) =	ssettm $0x1  }
0x97: {  	s17 =	sld [smem:$0x3FFB];
	_ =	sdelay $0x3  }
0x98: {  	_ =	strace s17  }
0x99: {  	s3 =	sld [smem:$0x3FFC];
	_ =	sdelay $0x3  }
0x9a: {  	_ =	strace s3  }
0x9b: {  	s3 =	sld [smem:$0x3FFD];
	_ =	sdelay $0x3  }
0x9c: {  	_ =	strace s3  }
0x9d: {  	_ =	strace $0x8FFFFFFF  }
0x9e: {  	s18 =	sld [smem:$0x3FDB];
	_ =	sdelay $0x1  }
0x9f: {  	s19 =	simm.s32 $_scs_section_size  }
0xa0: {  	s5 =	simm.s32 $_size__tile_overlayer_lowered;
	s6 =	simm.s32 $_tile_overlayer_lowered  }
0xa1: {  	s22 =	simm.s32 $0x1BFF;
	s21 =	sshll.u32 s6, $0x1;
	s3 =	sadd.s32 s19, s18  }
0xa2: {  	s7 =	simm.s32 $0x0;
	s20 =	sshll.u32 s5, $0x1;
	s5 =	sadd.s32 s21, s3  }
0xa3: {  	[timem:s7], [sflag:s22] =	dma.local [hbm:s5], s20  }
0xa4: {  	_ =	swait.ge [sflag:s22], s20  }
0xa5: {  	s4 =	ssub.s32 $0x0, s20;
	[sflag:s22] =	ssyncset.done $0x0  }
0xa6: {  	[sflag:s22] =	ssyncadd.s32 s4;
	_ =	sdelay $0x1  }
0xa7: {  	s23 =	simm.s32 $0x1B8B  }
0xa8: {  	_ =	swait.ge [sflag:s23], $0x1  }
0xa9: {  	[sflag:s23] =	ssyncset.done $0x0  }
0xaa: {  	s25 =	simm.s32 $0x1B8E;
	s24 =	sld [smem:$0x3FFE];
	[sflag:s23] =	ssyncadd.s32 $0xFFFFFFFF  }
0xab: {  	s26 =	simm.s32 $execute0_lowered;
	[smem:$0x3FD2] =	sst s25  }
0xac: {  	s5 =	sshll.u32 s26, $0x1;
	_ =	strace $0x80000046;
	[dreg:$0x1] =	wrdreg $0xFFFFFFFF  }
0xad: {  	s28 =	simm.s32 $_size_execute0_lowered;
	s3 =	sadd.s32 s3, s5;
	[dreg:$0x0] =	wrdreg $0x0  }
0xae: {  	s5 =	sshll.u32 s28, $0x1;
	[dreg:$0x2] =	wrdreg s3  }
0xaf: {  	[dreg:$0x3] =	wrdreg s5  }
0xb0: {  	[dreg:$0x4] =	wrdreg $0xC0  }
0xb1: {  	_ =	task [dreg:s7], $0x5FFFF  }
0xb2: {  	[dreg:$0x1] =	wrdreg $0xFFFFFFFF  }
0xb3: {  	[dreg:$0x0] =	wrdreg $0x60  }
0xb4: {  	[dreg:$0x2] =	wrdreg s24  }
0xb5: {  	[dreg:$0x3] =	wrdreg s16  }
0xb6: {  	[dreg:$0x4] =	wrdreg $0x9  }
0xb7: {  	_ =	task.clear_ibuf [dreg:s7], $0x5FFFF;
	_ =	strace $0x90000046  }
0xb8: {  	s29 =	simm.s32 $0x9;
	_ =	strace $0x80000048  }
0xb9: {  	_ =	swait.ge [sflag:s29], $0x1  }
0xba: {  	[sflag:s29] =	ssyncadd.s32 $0xFFFFFFFF  }
0xbb: {  	_ =	strace $0x90000048  }
0xbc: {  	_ =	sfence  }
0xbd: {  	s30 =	sld [smem:$0x0];
	_ =	sdelay $0x2  }
0xbe: {  	s31 =	sshll.u32 s1, $0xD;
	s1 =	sshrl.u32 s1, $0x2  }
0xbf: {  	s3 =	sand.u32 $0x4000, s31;
	s1 =	sadd.s32 s1, s30  }
0xc0: {  	s0 =	sor.u32 s3, s0;
	s1 =	sshll.u32 s1, $0x11  }
0xc1: {  	s0 =	sor.u32 s1, s0  }
0xc2: {  	s0 =	sadd.s32 $0x8F2B, s0  }
0xc3: {  	[sflag:s0] =	ssyncadd.remote.s32 $0x1  }
0xc4: {  	_ =	sfence.sel $0xFFFF  }
0xc5: {  	[dreg:$0x0] =	wrdreg $0xFFFFFFFF;
	(pc) =	sbr.abs _section_cstart, $3  }
0xc6: {  	[dreg:$0x1] =	wrdreg $0xFFFFFFFF  }
0xc7: {  	_ =	task.clear_ibuf [dreg:s7], $0x2FFFF;
	_ =	strace $0x9FFFFFFF  }
0xc8: {  	(tm) =	ssettm $0x7FFFFFFF  }
0xc9: {  	_ =	shalt  }
tec
execute0_lowered:
.L_overlay_start_1:
0x0: {  	(tag) =	ssettag $0x1  }
0x1: {  	s3 =	rddreg [dreg:$0x0]  }
0x2: {  	s1 =	srdreg.scid;
	s0 =	stileid.u32  }
0x3: {  	s5 =	rddreg [dreg:$0x1];
	s4 =	sand.u32 $0x1, s1;
	s6 =	sshll.u32 s0, $0x1  }
0x4: {  	s2 =	simm.s32 $0x0;
	s9 =	simm.s32 $0x0;
	s6 =	sor.u32 s4, s6  }
0x5: {  	s1 =	rddreg [dreg:$0x2];
	s4 =	ssub.s32 $0x2, s4;
	s7 =	smul.u32 $0x620, s6  }
0x6: {  	[smem:$0x7FF] =	sst s2;
	s8 =	sshrl.u32 s4, $0x1;
	s6 =	smul.u32 $0x30D4, s6  }
0x7: {  	_ =	strace $0x80000047;
	s8 =	ssub.s32 s4, s8;
	s7 =	sadd.s32 s7, s3  }
0x8: {  	s3 =	sadd.s32 $0xD200, s3;
	s5 =	sadd.s32 s5, s6;
	s6 =	smax.u32 s8, $0x1  }
0x9: {  	v0 =	vimm.f32 $1.000000000e+00;
	s8 =	simm.s32 $0x18700;
	s4 =	sadd.s32 $0xE00, s7;
	s7 =	simm.s32 $0x1  }
.LBB2_1:
0xa: {  	[tilespmem:s2], [sflag:$0x1] =	stream.linear.gather [hbm4b:s3+s2], $0x18700, $0x38;
	[tilespmem:$0x1B800] =	vst v63  }
0xb: {  	_ =	swait.ge [sflag:s7], $0x18700  }
0xc: {  	[sflag:s7] =	ssyncset.done $0x0  }
0xd: {  	[sflag:s7] =	ssyncadd.s32 $0xFFFE7900  }
0xe: {  	[tilespmem:s8], [sflag:$0x1] =	stream.linear.gather [hbm4b:s4+s2], $0x3100, $0x38;
	[tilespmem:$0x1B800] =	vst v63  }
0xf: {  	_ =	swait.ge [sflag:s7], $0x3100  }
0x10: {  	[sflag:s7] =	ssyncset.done $0x0  }
0x11: {  	s11 =	simm.s32 $0x0;
	s10 =	simm.s32 $0x40;
	[sflag:s7] =	ssyncadd.s32 $0xFFFFCF00  }
.LBB2_2:
0x12: {  	p0 =	sne.s32 s10, $0xC3C0;
	v1 =	vld [tilespmem:s11+$0x18700];
	_ =	sdelay $0x3  }
.Ltmp0:
0x13: {  	(pc) =	sbr.rel @p0 .LBB2_2-.Ltmp0, $2  }
0x14: {  	_ =	sdelay $0x2  }
0x15: {  	s11 =	sshra.s32 s10, $0x2;
	s10 =	sadd.s32 $0x40, s10;
	[tilespmem:v1+s2+$0x0] =	vst.idx.msk $0xffff, v0  }
0x16: {  	v1 =	vld [tilespmem:s11+$0x18700];
	_ =	sdelay $0x5  }
0x17: {  	s9 =	sadd.s32 $0x1, s9  }
0x18: {  	p0 =	sne.s32 s9, s6  }
.Ltmp1:
0x19: {  	[tilespmem:v1+s2+$0x0] =	vst.idx.msk $0xffff, v0;
	(pc) =	sbr.rel @p0 .LBB2_1-.Ltmp1, $4  }
0x1a: {  	[hbm4b:s5+s2] =	stream.linear.scatter [tilespmem:s2], [sflag:$0x1], $0x186A0, $0x38;
	[tilespmem:$0x1B800] =	vst v63  }
0x1b: {  	_ =	swait.ge [sflag:s7], $0x186A0  }
0x1c: {  	[sflag:s7] =	ssyncset.done $0x0  }
0x1d: {  	[sflag:s7] =	ssyncadd.s32 $0xFFFE7960  }
0x1e: {  	_ =	sfence.sel $0x180000  }
0x1f: {  	[bflag:$0x0] =	sbarrier.arrive $0xFFFF  }
0x20: {  	p0 =	sne.s32 s0, $0x0;
	_ =	strace $0x90000047  }
0x21: {  	s0 =	sadd.s32 @!p0 $0x100000, s1;
	[bflag:$0x2] =	sbarrier.arrive $0xFFFF  }
0x22: {  	[sflag:s0] =	ssyncadd.tile.s32 @!p0 $0x1;
	_ =	shalt  }
.Lfunc_end2:
_tile_overlayer_lowered:
.L_overlay_start_2:
0x23: {  	(tag) =	ssettag $0x2  }
0x24: {  	s0 =	rddreg [dreg:$0x0];
	s2 =	stileid.u32  }
0x25: {  	s1 =	rddreg [dreg:$0x1];
	p0 =	sne.s32 s2, $0x0  }
0x26: {  	s3 =	rddreg [dreg:$0x2];
	[bflag:$0x3] =	sbarrier.arrive $0xFFFF;
	s2 =	simm.s32 @!p0 $0x1C01  }
0x27: {  	[timem:s3], [sflag:s2] =	dma.local @!p0 [hbm:s0], s1  }
0x28: {  	s0 =	simm.s32 @!p0 $0x1  }
0x29: {  	_ =	swait.ge @!p0 [sflag:s0], s1  }
0x2a: {  	s1 =	ssub.s32 @!p0 $0x0, s1;
	[sflag:s0] =	ssyncset.done @!p0 $0x0  }
0x2b: {  	[sflag:s0] =	ssyncadd.s32 @!p0 s1  }
0x2c: {  	[bflag:$0x3] =	sbarrier.arrive $0xFFFF  }
0x2d: {  	_ =	shalt  }

</sc_bundles>
